<compile_context>
chip_gen: v7x
topology: tpu7x:2x2x1
jax: 0.10.2.dev20260603
libtpu: 0.0.44.dev20260713+nightly
codegen_flags: <defaults>
</compile_context>

<pallas_src>
import functools

import jax
import jax.numpy as jnp
from jax import lax
from jax.experimental import pallas as pl
from jax.experimental.pallas import tpu as pltpu
from jax.experimental.pallas import tpu_sc as plsc

_VOCAB = 1000000
_DIM = 32
_CTX = 200



def _sc_gather_mean(idx_row, idx_grp, table128):
    mesh = plsc.VectorSubcoreMesh(core_axis_name="c", subcore_axis_name="s")

    @functools.partial(
        pl.kernel,
        mesh=mesh,
        out_type=jax.ShapeDtypeStruct((1, _DIM), jnp.float32),
        scratch_types=[
            pltpu.VMEM((_CTX,), jnp.int32),
            pltpu.VMEM((_CTX,), jnp.int32),
            pltpu.VMEM((_CTX, 128), jnp.float32),
            pltpu.VMEM((4, 128), jnp.float32),
            pltpu.VMEM_SHARED((4, 128), jnp.float32),
            pltpu.VMEM((1, _DIM), jnp.float32),
            pltpu.SemaphoreType.DMA,
        ],
    )
    def gather_mean(row_hbm, grp_hbm, table_hbm, out_hbm, row_v, grp_v,
                    rows_v, acc_v, acc_sh, res_v, sem):
        c = lax.axis_index("c")
        s = lax.axis_index("s")
        wid = s * 2 + c

        @pl.when(wid == 0)
        def _():
            pltpu.sync_copy(row_hbm, row_v)
            pltpu.sync_copy(grp_hbm, grp_v)
            pltpu.async_copy(table_hbm.at[row_v], rows_v, sem).wait()
            for r in range(4):
                for k in range(0, 128, 16):
                    acc_v[r, pl.ds(k, 16)] = jnp.zeros((16,), jnp.float32)
            pltpu.sync_copy(acc_v, acc_sh)
            pltpu.sync_copy(rows_v, acc_sh.at[grp_v], add=True)
            pltpu.sync_copy(acc_sh, acc_v)
            r0 = (acc_v[0, 0:16] + acc_v[1, 32:48]
                  + acc_v[2, 64:80] + acc_v[3, 96:112])
            r1 = (acc_v[0, 16:32] + acc_v[1, 48:64]
                  + acc_v[2, 80:96] + acc_v[3, 112:128])
            res_v[0, 0:16] = r0 * (1.0 / _CTX)
            res_v[0, 16:32] = r1 * (1.0 / _CTX)
            pltpu.sync_copy(res_v, out_hbm)

    return gather_mean(idx_row, idx_grp, table128)



_B2 = 8192
_NW = _VOCAB // 4
_NB = -(-_NW // _B2)
_VB = 4 * _B2
_NEG = -3.0e38


def _logits_body(x4_ref, w_ref, b_ref, out_ref, lse_ref, m_sc, s_sc):
    i = pl.program_id(0)
    nb = pl.num_programs(0)
    y = lax.dot_general(
        x4_ref[...], w_ref[...], (((1,), (1,)), ((), ())),
        preferred_element_type=jnp.float32,
    )
    g1 = pltpu.einshape("j(gm)->g(jm)", y, m=32)
    lane = lax.broadcasted_iota(jnp.int32, (_B2 // 32, 128), 1)
    z2 = jnp.take_along_axis(g1, 32 * (lane % 4) + lane // 4, axis=1)
    z = pltpu.einshape("gl->(gl)", z2) + b_ref[0]
    out_ref[0, :] = z
    glob = i * _VB + lax.broadcasted_iota(jnp.int32, (_VB,), 0)
    zm = jnp.where(glob < _VOCAB, z, _NEG)
    bm = jnp.max(zm)
    bs = jnp.sum(jnp.exp(zm - bm))

    @pl.when(i == 0)
    def _():
        m_sc[0] = bm
        s_sc[0] = bs

    @pl.when(i > 0)
    def _():
        m_old = m_sc[0]
        s_old = s_sc[0]
        m_new = jnp.maximum(m_old, bm)
        m_sc[0] = m_new
        s_sc[0] = s_old * jnp.exp(m_old - m_new) + bs * jnp.exp(bm - m_new)

    @pl.when(i == nb - 1)
    def _():
        lse_ref[0] = m_sc[0] + jnp.log(s_sc[0])


def _tc_logits(x4, w2, lin_b2):
    return pl.pallas_call(
        _logits_body,
        grid=(_NB,),
        in_specs=[
            pl.BlockSpec((4, 128), lambda i: (0, 0)),
            pl.BlockSpec((_B2, 128), lambda i: (i, 0)),
            pl.BlockSpec((1, _VB), lambda i: (0, i)),
        ],
        out_specs=[
            pl.BlockSpec((1, _VB), lambda i: (0, i)),
            pl.BlockSpec(memory_space=pltpu.SMEM),
        ],
        out_shape=[
            jax.ShapeDtypeStruct((1, _VOCAB), jnp.float32),
            jax.ShapeDtypeStruct((1,), jnp.float32),
        ],
        scratch_shapes=[
            pltpu.SMEM((1,), jnp.float32),
            pltpu.SMEM((1,), jnp.float32),
        ],
    )(x4, w2, lin_b2)


_C2 = 131072


def _sub_body(lse_ref, logit_ref, out_ref):
    out_ref[...] = logit_ref[...] - lse_ref[0]


def _tc_logsoftmax(lse, logits):
    return pl.pallas_call(
        _sub_body,
        grid=(-(-_VOCAB // _C2),),
        in_specs=[
            pl.BlockSpec(memory_space=pltpu.SMEM),
            pl.BlockSpec((1, _C2), lambda i: (0, i)),
        ],
        out_specs=pl.BlockSpec((1, _C2), lambda i: (0, i)),
        out_shape=jax.ShapeDtypeStruct((1, _VOCAB), jnp.float32),
    )(lse, logits)


def kernel(inputs, emb_table, lin_w, lin_b):
    x = _sc_gather_mean(inputs // 4, inputs % 4, emb_table.reshape(_NW, 128))
    eye = jnp.repeat(jnp.eye(4, dtype=jnp.float32), _DIM, axis=1)
    x4 = eye * jnp.tile(x, (1, 4))
    w2 = lin_w.reshape(_NW, 128)
    logits, lse = _tc_logits(x4, w2, lin_b.reshape(1, _VOCAB))
    return _tc_logsoftmax(lse, logits)

# --- scband reference (transcript-rebuilt; emitter-appended) ---
"""Pipeline reference for scband-cbow-31387620999369 (READ-ONLY COPY).

The authoritative reference and input builder live on the scoring server;
editing this copy changes nothing except your own understanding.
"""

import jax, jax.numpy as jnp
import numpy as np

VOCAB = 1000000
DIM = 32
CTX = 200

def setup_inputs(seed: int = 0) -> dict:
    key = jax.random.key(seed)
    k1, k2, k3, k4 = jax.random.split(key, 4)
    inputs = jax.random.randint(k1, (CTX,), 0, VOCAB, dtype=jnp.int32)
    emb_table = jax.random.normal(k2, (VOCAB, DIM), dtype=jnp.float32)
    lin_w = jax.random.normal(k3, (VOCAB, DIM), dtype=jnp.float32) * (1.0 / np.sqrt(DIM))
    lin_b = jax.random.normal(k4, (VOCAB,), dtype=jnp.float32) * 0.01
    return {"inputs": inputs, "emb_table": emb_table, "lin_w": lin_w, "lin_b": lin_b}

def reference(inputs, emb_table, lin_w, lin_b):
    # embeddings(inputs): gather -> [CTX, DIM]
    embedded = jnp.take(emb_table, inputs, axis=0)
    # mean over context dim, view (1, -1)
    X = jnp.mean(embedded, axis=0).reshape(1, -1)
    # linear: X @ W^T + b -> [1, VOCAB]
    X = X @ lin_w.T + lin_b
    # F.log_softmax defaults to last dim for 2D input
    X = jax.nn.log_softmax(X, axis=-1)
    return X

if __name__ == "__main__":
    import jax
    _d = setup_inputs()
    print(jax.jit(kernel)(*tuple(_d.values())))

</pallas_src>

<mosaic_0001>
#map = affine_map<(d0, d1) -> (0)>
#map1 = affine_map<(d0, d1) -> (0, 0)>
module attributes {stable_mosaic.version = 14 : i64} {
  func.func @gather_mean(%arg0: i32, %arg1: i32, %arg2: memref<200xi32, #tpu.memory_space<hbm>>, %arg3: memref<200xi32, #tpu.memory_space<hbm>>, %arg4: memref<250000x128xf32, #tpu.memory_space<hbm>>, %arg5: memref<1x32xf32, #tpu.memory_space<hbm>>, %arg6: memref<200xi32, #tpu.memory_space<vmem>>, %arg7: memref<200xi32, #tpu.memory_space<vmem>>, %arg8: memref<200x128xf32, #tpu.memory_space<vmem>>, %arg9: memref<4x128xf32, #tpu.memory_space<vmem>>, %arg10: memref<4x128xf32, #tpu.memory_space<vmem_shared>>, %arg11: memref<1x32xf32, #tpu.memory_space<vmem>>, %arg12: memref<!tpu.dma_semaphore, #tpu.memory_space<semaphore_mem>>) attributes {dimension_semantics = [#tpu.dimension_semantics<core_parallel>, #tpu.dimension_semantics<subcore_parallel>], iteration_bounds = array<i64: 2, 16>, scalar_prefetch = 0 : i64, scratch_operands = 7 : i64, tpu.core_type = #tpu.core_type<sc_vector_subcore>, window_params = [{transform_indices = #map}, {transform_indices = #map}, {transform_indices = #map1}, {transform_indices = #map1}]} {
    %mul3A = arith.constant 2 : i32
    %mul3A_0 = arith.muli %arg1, %mul3A : i32
    %add3A = arith.addi %mul3A_0, %arg0 : i32
    %eq3A = arith.constant 0 : i32
    %eq3A_1 = arith.cmpi eq, %add3A, %eq3A : i32
    %convert_element_type3A = arith.extui %eq3A_1 : i1 to i32
    %cond3A = arith.constant 0 : i32
    %cond3A_2 = arith.cmpi ne, %convert_element_type3A, %cond3A : i32
    scf.if %cond3A_2 {
      "tpu.region"() ({
        %run_scoped3A = tpu.sem_alloc : memref<!tpu.dma_semaphore, #tpu.memory_space<semaphore_mem>>
        tpu.enqueue_dma source(%arg2 : memref<200xi32, #tpu.memory_space<hbm>>) target(%arg6 : memref<200xi32, #tpu.memory_space<vmem>>) target_semaphore(%run_scoped3A : memref<!tpu.dma_semaphore, #tpu.memory_space<semaphore_mem>>)
        tpu.wait_dma2 semaphore(%run_scoped3A : memref<!tpu.dma_semaphore, #tpu.memory_space<semaphore_mem>>) src(%arg2 : memref<200xi32, #tpu.memory_space<hbm>>) dst(%arg6 : memref<200xi32, #tpu.memory_space<vmem>>)
        tpu.yield
      }) : () -> ()
      "tpu.region"() ({
        %run_scoped3A = tpu.sem_alloc : memref<!tpu.dma_semaphore, #tpu.memory_space<semaphore_mem>>
        tpu.enqueue_dma source(%arg3 : memref<200xi32, #tpu.memory_space<hbm>>) target(%arg7 : memref<200xi32, #tpu.memory_space<vmem>>) target_semaphore(%run_scoped3A : memref<!tpu.dma_semaphore, #tpu.memory_space<semaphore_mem>>)
        tpu.wait_dma2 semaphore(%run_scoped3A : memref<!tpu.dma_semaphore, #tpu.memory_space<semaphore_mem>>) src(%arg3 : memref<200xi32, #tpu.memory_space<hbm>>) dst(%arg7 : memref<200xi32, #tpu.memory_space<vmem>>)
        tpu.yield
      }) : () -> ()
      %dma_start3A = arith.constant 0 : i32
      %dma_start3A_3 = arith.constant 0 : i32
      %dma_start3A_4 = tpu.memref_slice %arg4[%dma_start3A, %dma_start3A_3] : memref<250000x128xf32, #tpu.memory_space<hbm>> -> memref<250000x128xf32, #tpu.memory_space<hbm>>
      tpu.enqueue_indirect_dma source(%dma_start3A_4 : memref<250000x128xf32, #tpu.memory_space<hbm>>) target(%arg8 : memref<200x128xf32, #tpu.memory_space<vmem>>) offsets(%arg6 : memref<200xi32, #tpu.memory_space<vmem>>) semaphore(%arg12 : memref<!tpu.dma_semaphore, #tpu.memory_space<semaphore_mem>>)
      %dma_wait3A = arith.constant 0 : i32
      %dma_wait3A_5 = arith.constant 0 : i32
      %dma_wait3A_6 = tpu.memref_slice %arg4[%dma_wait3A, %dma_wait3A_5] : memref<250000x128xf32, #tpu.memory_space<hbm>> -> memref<250000x128xf32, #tpu.memory_space<hbm>>
      tpu.wait_indirect_dma semaphore(%arg12 : memref<!tpu.dma_semaphore, #tpu.memory_space<semaphore_mem>>) src(%dma_wait3A_6 : memref<250000x128xf32, #tpu.memory_space<hbm>>) dst(%arg8 : memref<200x128xf32, #tpu.memory_space<vmem>>)
      %broadcast_in_dim3A = arith.constant 0.000000e+00 : f32
      %broadcast_in_dim3A_7 = vector.broadcast %broadcast_in_dim3A : f32 to vector<16xf32>
      %swap3A = arith.constant 0 : i32
      %swap3A_8 = arith.index_cast %swap3A : i32 to index
      %swap3A_9 = arith.constant 0 : index
      %swap3A_10 = tpu.vector_load %arg9[%swap3A_8, %swap3A_9] {strides = array<i32>} : memref<4x128xf32, #tpu.memory_space<vmem>>, vector<1x16xf32>,
      %swap3A_11 = vector.shape_cast %swap3A_10 : vector<1x16xf32> to vector<16xf32>
      %swap3A_12 = vector.shape_cast %broadcast_in_dim3A_7 : vector<16xf32> to vector<1x16xf32>
      tpu.vector_store %arg9[%swap3A_8, %swap3A_9], %swap3A_12 {strides = array<i32>} : memref<4x128xf32, #tpu.memory_space<vmem>>, vector<1x16xf32>,
      %broadcast_in_dim3A_13 = arith.constant 0.000000e+00 : f32
      %broadcast_in_dim3A_14 = vector.broadcast %broadcast_in_dim3A_13 : f32 to vector<16xf32>
      %swap3A_15 = arith.constant 0 : i32
      %swap3A_16 = arith.index_cast %swap3A_15 : i32 to index
      %swap3A_17 = arith.constant 16 : index
      %swap3A_18 = tpu.vector_load %arg9[%swap3A_16, %swap3A_17] {strides = array<i32>} : memref<4x128xf32, #tpu.memory_space<vmem>>, vector<1x16xf32>,
      %swap3A_19 = vector.shape_cast %swap3A_18 : vector<1x16xf32> to vector<16xf32>
      %swap3A_20 = vector.shape_cast %broadcast_in_dim3A_14 : vector<16xf32> to vector<1x16xf32>
      tpu.vector_store %arg9[%swap3A_16, %swap3A_17], %swap3A_20 {strides = array<i32>} : memref<4x128xf32, #tpu.memory_space<vmem>>, vector<1x16xf32>,
      %broadcast_in_dim3A_21 = arith.constant 0.000000e+00 : f32
      %broadcast_in_dim3A_22 = vector.broadcast %broadcast_in_dim3A_21 : f32 to vector<16xf32>
      %swap3A_23 = arith.constant 0 : i32
      %swap3A_24 = arith.index_cast %swap3A_23 : i32 to index
      %swap3A_25 = arith.constant 32 : index
      %swap3A_26 = tpu.vector_load %arg9[%swap3A_24, %swap3A_25] {strides = array<i32>} : memref<4x128xf32, #tpu.memory_space<vmem>>, vector<1x16xf32>,
      %swap3A_27 = vector.shape_cast %swap3A_26 : vector<1x16xf32> to vector<16xf32>
      %swap3A_28 = vector.shape_cast %broadcast_in_dim3A_22 : vector<16xf32> to vector<1x16xf32>
      tpu.vector_store %arg9[%swap3A_24, %swap3A_25], %swap3A_28 {strides = array<i32>} : memref<4x128xf32, #tpu.memory_space<vmem>>, vector<1x16xf32>,
      %broadcast_in_dim3A_29 = arith.constant 0.000000e+00 : f32
      %broadcast_in_dim3A_30 = vector.broadcast %broadcast_in_dim3A_29 : f32 to vector<16xf32>
      %swap3A_31 = arith.constant 0 : i32
      %swap3A_32 = arith.index_cast %swap3A_31 : i32 to index
      %swap3A_33 = arith.constant 48 : index
      %swap3A_34 = tpu.vector_load %arg9[%swap3A_32, %swap3A_33] {strides = array<i32>} : memref<4x128xf32, #tpu.memory_space<vmem>>, vector<1x16xf32>,
      %swap3A_35 = vector.shape_cast %swap3A_34 : vector<1x16xf32> to vector<16xf32>
      %swap3A_36 = vector.shape_cast %broadcast_in_dim3A_30 : vector<16xf32> to vector<1x16xf32>
      tpu.vector_store %arg9[%swap3A_32, %swap3A_33], %swap3A_36 {strides = array<i32>} : memref<4x128xf32, #tpu.memory_space<vmem>>, vector<1x16xf32>,
      %broadcast_in_dim3A_37 = arith.constant 0.000000e+00 : f32
      %broadcast_in_dim3A_38 = vector.broadcast %broadcast_in_dim3A_37 : f32 to vector<16xf32>
      %swap3A_39 = arith.constant 0 : i32
      %swap3A_40 = arith.index_cast %swap3A_39 : i32 to index
      %swap3A_41 = arith.constant 64 : index
      %swap3A_42 = tpu.vector_load %arg9[%swap3A_40, %swap3A_41] {strides = array<i32>} : memref<4x128xf32, #tpu.memory_space<vmem>>, vector<1x16xf32>,
      %swap3A_43 = vector.shape_cast %swap3A_42 : vector<1x16xf32> to vector<16xf32>
      %swap3A_44 = vector.shape_cast %broadcast_in_dim3A_38 : vector<16xf32> to vector<1x16xf32>
      tpu.vector_store %arg9[%swap3A_40, %swap3A_41], %swap3A_44 {strides = array<i32>} : memref<4x128xf32, #tpu.memory_space<vmem>>, vector<1x16xf32>,
      %broadcast_in_dim3A_45 = arith.constant 0.000000e+00 : f32
      %broadcast_in_dim3A_46 = vector.broadcast %broadcast_in_dim3A_45 : f32 to vector<16xf32>
      %swap3A_47 = arith.constant 0 : i32
      %swap3A_48 = arith.index_cast %swap3A_47 : i32 to index
      %swap3A_49 = arith.constant 80 : index
      %swap3A_50 = tpu.vector_load %arg9[%swap3A_48, %swap3A_49] {strides = array<i32>} : memref<4x128xf32, #tpu.memory_space<vmem>>, vector<1x16xf32>,
      %swap3A_51 = vector.shape_cast %swap3A_50 : vector<1x16xf32> to vector<16xf32>
      %swap3A_52 = vector.shape_cast %broadcast_in_dim3A_46 : vector<16xf32> to vector<1x16xf32>
      tpu.vector_store %arg9[%swap3A_48, %swap3A_49], %swap3A_52 {strides = array<i32>} : memref<4x128xf32, #tpu.memory_space<vmem>>, vector<1x16xf32>,
      %broadcast_in_dim3A_53 = arith.constant 0.000000e+00 : f32
      %broadcast_in_dim3A_54 = vector.broadcast %broadcast_in_dim3A_53 : f32 to vector<16xf32>
      %swap3A_55 = arith.constant 0 : i32
      %swap3A_56 = arith.index_cast %swap3A_55 : i32 to index
      %swap3A_57 = arith.constant 96 : index
      %swap3A_58 = tpu.vector_load %arg9[%swap3A_56, %swap3A_57] {strides = array<i32>} : memref<4x128xf32, #tpu.memory_space<vmem>>, vector<1x16xf32>,
      %swap3A_59 = vector.shape_cast %swap3A_58 : vector<1x16xf32> to vector<16xf32>
      %swap3A_60 = vector.shape_cast %broadcast_in_dim3A_54 : vector<16xf32> to vector<1x16xf32>
      tpu.vector_store %arg9[%swap3A_56, %swap3A_57], %swap3A_60 {strides = array<i32>} : memref<4x128xf32, #tpu.memory_space<vmem>>, vector<1x16xf32>,
      %broadcast_in_dim3A_61 = arith.constant 0.000000e+00 : f32
      %broadcast_in_dim3A_62 = vector.broadcast %broadcast_in_dim3A_61 : f32 to vector<16xf32>
      %swap3A_63 = arith.constant 0 : i32
      %swap3A_64 = arith.index_cast %swap3A_63 : i32 to index
      %swap3A_65 = arith.constant 112 : index
      %swap3A_66 = tpu.vector_load %arg9[%swap3A_64, %swap3A_65] {strides = array<i32>} : memref<4x128xf32, #tpu.memory_space<vmem>>, vector<1x16xf32>,
      %swap3A_67 = vector.shape_cast %swap3A_66 : vector<1x16xf32> to vector<16xf32>
      %swap3A_68 = vector.shape_cast %broadcast_in_dim3A_62 : vector<16xf32> to vector<1x16xf32>
      tpu.vector_store %arg9[%swap3A_64, %swap3A_65], %swap3A_68 {strides = array<i32>} : memref<4x128xf32, #tpu.memory_space<vmem>>, vector<1x16xf32>,
      %broadcast_in_dim3A_69 = arith.constant 0.000000e+00 : f32
      %broadcast_in_dim3A_70 = vector.broadcast %broadcast_in_dim3A_69 : f32 to vector<16xf32>
      %swap3A_71 = arith.constant 1 : i32
      %swap3A_72 = arith.index_cast %swap3A_71 : i32 to index
      %swap3A_73 = arith.constant 0 : index
      %swap3A_74 = tpu.vector_load %arg9[%swap3A_72, %swap3A_73] {strides = array<i32>} : memref<4x128xf32, #tpu.memory_space<vmem>>, vector<1x16xf32>,
      %swap3A_75 = vector.shape_cast %swap3A_74 : vector<1x16xf32> to vector<16xf32>
      %swap3A_76 = vector.shape_cast %broadcast_in_dim3A_70 : vector<16xf32> to vector<1x16xf32>
      tpu.vector_store %arg9[%swap3A_72, %swap3A_73], %swap3A_76 {strides = array<i32>} : memref<4x128xf32, #tpu.memory_space<vmem>>, vector<1x16xf32>,
      %broadcast_in_dim3A_77 = arith.constant 0.000000e+00 : f32
      %broadcast_in_dim3A_78 = vector.broadcast %broadcast_in_dim3A_77 : f32 to vector<16xf32>
      %swap3A_79 = arith.constant 1 : i32
      %swap3A_80 = arith.index_cast %swap3A_79 : i32 to index
      %swap3A_81 = arith.constant 16 : index
      %swap3A_82 = tpu.vector_load %arg9[%swap3A_80, %swap3A_81] {strides = array<i32>} : memref<4x128xf32, #tpu.memory_space<vmem>>, vector<1x16xf32>,
      %swap3A_83 = vector.shape_cast %swap3A_82 : vector<1x16xf32> to vector<16xf32>
      %swap3A_84 = vector.shape_cast %broadcast_in_dim3A_78 : vector<16xf32> to vector<1x16xf32>
      tpu.vector_store %arg9[%swap3A_80, %swap3A_81], %swap3A_84 {strides = array<i32>} : memref<4x128xf32, #tpu.memory_space<vmem>>, vector<1x16xf32>,
      %broadcast_in_dim3A_85 = arith.constant 0.000000e+00 : f32
      %broadcast_in_dim3A_86 = vector.broadcast %broadcast_in_dim3A_85 : f32 to vector<16xf32>
      %swap3A_87 = arith.constant 1 : i32
      %swap3A_88 = arith.index_cast %swap3A_87 : i32 to index
      %swap3A_89 = arith.constant 32 : index
      %swap3A_90 = tpu.vector_load %arg9[%swap3A_88, %swap3A_89] {strides = array<i32>} : memref<4x128xf32, #tpu.memory_space<vmem>>, vector<1x16xf32>,
      %swap3A_91 = vector.shape_cast %swap3A_90 : vector<1x16xf32> to vector<16xf32>
      %swap3A_92 = vector.shape_cast %broadcast_in_dim3A_86 : vector<16xf32> to vector<1x16xf32>
      tpu.vector_store %arg9[%swap3A_88, %swap3A_89], %swap3A_92 {strides = array<i32>} : memref<4x128xf32, #tpu.memory_space<vmem>>, vector<1x16xf32>,
      %broadcast_in_dim3A_93 = arith.constant 0.000000e+00 : f32
      %broadcast_in_dim3A_94 = vector.broadcast %broadcast_in_dim3A_93 : f32 to vector<16xf32>
      %swap3A_95 = arith.constant 1 : i32
      %swap3A_96 = arith.index_cast %swap3A_95 : i32 to index
      %swap3A_97 = arith.constant 48 : index
      %swap3A_98 = tpu.vector_load %arg9[%swap3A_96, %swap3A_97] {strides = array<i32>} : memref<4x128xf32, #tpu.memory_space<vmem>>, vector<1x16xf32>,
      %swap3A_99 = vector.shape_cast %swap3A_98 : vector<1x16xf32> to vector<16xf32>
      %swap3A_100 = vector.shape_cast %broadcast_in_dim3A_94 : vector<16xf32> to vector<1x16xf32>
      tpu.vector_store %arg9[%swap3A_96, %swap3A_97], %swap3A_100 {strides = array<i32>} : memref<4x128xf32, #tpu.memory_space<vmem>>, vector<1x16xf32>,
      %broadcast_in_dim3A_101 = arith.constant 0.000000e+00 : f32
      %broadcast_in_dim3A_102 = vector.broadcast %broadcast_in_dim3A_101 : f32 to vector<16xf32>
      %swap3A_103 = arith.constant 1 : i32
      %swap3A_104 = arith.index_cast %swap3A_103 : i32 to index
      %swap3A_105 = arith.constant 64 : index
      %swap3A_106 = tpu.vector_load %arg9[%swap3A_104, %swap3A_105] {strides = array<i32>} : memref<4x128xf32, #tpu.memory_space<vmem>>, vector<1x16xf32>,
      %swap3A_107 = vector.shape_cast %swap3A_106 : vector<1x16xf32> to vector<16xf32>
      %swap3A_108 = vector.shape_cast %broadcast_in_dim3A_102 : vector<16xf32> to vector<1x16xf32>
      tpu.vector_store %arg9[%swap3A_104, %swap3A_105], %swap3A_108 {strides = array<i32>} : memref<4x128xf32, #tpu.memory_space<vmem>>, vector<1x16xf32>,
      %broadcast_in_dim3A_109 = arith.constant 0.000000e+00 : f32
      %broadcast_in_dim3A_110 = vector.broadcast %broadcast_in_dim3A_109 : f32 to vector<16xf32>
      %swap3A_111 = arith.constant 1 : i32
      %swap3A_112 = arith.index_cast %swap3A_111 : i32 to index
      %swap3A_113 = arith.constant 80 : index
      %swap3A_114 = tpu.vector_load %arg9[%swap3A_112, %swap3A_113] {strides = array<i32>} : memref<4x128xf32, #tpu.memory_space<vmem>>, vector<1x16xf32>,
      %swap3A_115 = vector.shape_cast %swap3A_114 : vector<1x16xf32> to vector<16xf32>
      %swap3A_116 = vector.shape_cast %broadcast_in_dim3A_110 : vector<16xf32> to vector<1x16xf32>
      tpu.vector_store %arg9[%swap3A_112, %swap3A_113], %swap3A_116 {strides = array<i32>} : memref<4x128xf32, #tpu.memory_space<vmem>>, vector<1x16xf32>,
      %broadcast_in_dim3A_117 = arith.constant 0.000000e+00 : f32
      %broadcast_in_dim3A_118 = vector.broadcast %broadcast_in_dim3A_117 : f32 to vector<16xf32>
      %swap3A_119 = arith.constant 1 : i32
      %swap3A_120 = arith.index_cast %swap3A_119 : i32 to index
      %swap3A_121 = arith.constant 96 : index
      %swap3A_122 = tpu.vector_load %arg9[%swap3A_120, %swap3A_121] {strides = array<i32>} : memref<4x128xf32, #tpu.memory_space<vmem>>, vector<1x16xf32>,
      %swap3A_123 = vector.shape_cast %swap3A_122 : vector<1x16xf32> to vector<16xf32>
      %swap3A_124 = vector.shape_cast %broadcast_in_dim3A_118 : vector<16xf32> to vector<1x16xf32>
      tpu.vector_store %arg9[%swap3A_120, %swap3A_121], %swap3A_124 {strides = array<i32>} : memref<4x128xf32, #tpu.memory_space<vmem>>, vector<1x16xf32>,
      %broadcast_in_dim3A_125 = arith.constant 0.000000e+00 : f32
      %broadcast_in_dim3A_126 = vector.broadcast %broadcast_in_dim3A_125 : f32 to vector<16xf32>
      %swap3A_127 = arith.constant 1 : i32
      %swap3A_128 = arith.index_cast %swap3A_127 : i32 to index
      %swap3A_129 = arith.constant 112 : index
      %swap3A_130 = tpu.vector_load %arg9[%swap3A_128, %swap3A_129] {strides = array<i32>} : memref<4x128xf32, #tpu.memory_space<vmem>>, vector<1x16xf32>,
      %swap3A_131 = vector.shape_cast %swap3A_130 : vector<1x16xf32> to vector<16xf32>
      %swap3A_132 = vector.shape_cast %broadcast_in_dim3A_126 : vector<16xf32> to vector<1x16xf32>
      tpu.vector_store %arg9[%swap3A_128, %swap3A_129], %swap3A_132 {strides = array<i32>} : memref<4x128xf32, #tpu.memory_space<vmem>>, vector<1x16xf32>,
      %broadcast_in_dim3A_133 = arith.constant 0.000000e+00 : f32
      %broadcast_in_dim3A_134 = vector.broadcast %broadcast_in_dim3A_133 : f32 to vector<16xf32>
      %swap3A_135 = arith.constant 2 : i32
      %swap3A_136 = arith.index_cast %swap3A_135 : i32 to index
      %swap3A_137 = arith.constant 0 : index
      %swap3A_138 = tpu.vector_load %arg9[%swap3A_136, %swap3A_137] {strides = array<i32>} : memref<4x128xf32, #tpu.memory_space<vmem>>, vector<1x16xf32>,
      %swap3A_139 = vector.shape_cast %swap3A_138 : vector<1x16xf32> to vector<16xf32>
      %swap3A_140 = vector.shape_cast %broadcast_in_dim3A_134 : vector<16xf32> to vector<1x16xf32>
      tpu.vector_store %arg9[%swap3A_136, %swap3A_137], %swap3A_140 {strides = array<i32>} : memref<4x128xf32, #tpu.memory_space<vmem>>, vector<1x16xf32>,
      %broadcast_in_dim3A_141 = arith.constant 0.000000e+00 : f32
      %broadcast_in_dim3A_142 = vector.broadcast %broadcast_in_dim3A_141 : f32 to vector<16xf32>
      %swap3A_143 = arith.constant 2 : i32
      %swap3A_144 = arith.index_cast %swap3A_143 : i32 to index
      %swap3A_145 = arith.constant 16 : index
      %swap3A_146 = tpu.vector_load %arg9[%swap3A_144, %swap3A_145] {strides = array<i32>} : memref<4x128xf32, #tpu.memory_space<vmem>>, vector<1x16xf32>,
      %swap3A_147 = vector.shape_cast %swap3A_146 : vector<1x16xf32> to vector<16xf32>
      %swap3A_148 = vector.shape_cast %broadcast_in_dim3A_142 : vector<16xf32> to vector<1x16xf32>
      tpu.vector_store %arg9[%swap3A_144, %swap3A_145], %swap3A_148 {strides = array<i32>} : memref<4x128xf32, #tpu.memory_space<vmem>>, vector<1x16xf32>,
      %broadcast_in_dim3A_149 = arith.constant 0.000000e+00 : f32
      %broadcast_in_dim3A_150 = vector.broadcast %broadcast_in_dim3A_149 : f32 to vector<16xf32>
      %swap3A_151 = arith.constant 2 : i32
      %swap3A_152 = arith.index_cast %swap3A_151 : i32 to index
      %swap3A_153 = arith.constant 32 : index
      %swap3A_154 = tpu.vector_load %arg9[%swap3A_152, %swap3A_153] {strides = array<i32>} : memref<4x128xf32, #tpu.memory_space<vmem>>, vector<1x16xf32>,
      %swap3A_155 = vector.shape_cast %swap3A_154 : vector<1x16xf32> to vector<16xf32>
      %swap3A_156 = vector.shape_cast %broadcast_in_dim3A_150 : vector<16xf32> to vector<1x16xf32>
      tpu.vector_store %arg9[%swap3A_152, %swap3A_153], %swap3A_156 {strides = array<i32>} : memref<4x128xf32, #tpu.memory_space<vmem>>, vector<1x16xf32>,
      %broadcast_in_dim3A_157 = arith.constant 0.000000e+00 : f32
      %broadcast_in_dim3A_158 = vector.broadcast %broadcast_in_dim3A_157 : f32 to vector<16xf32>
      %swap3A_159 = arith.constant 2 : i32
      %swap3A_160 = arith.index_cast %swap3A_159 : i32 to index
      %swap3A_161 = arith.constant 48 : index
      %swap3A_162 = tpu.vector_load %arg9[%swap3A_160, %swap3A_161] {strides = array<i32>} : memref<4x128xf32, #tpu.memory_space<vmem>>, vector<1x16xf32>,
      %swap3A_163 = vector.shape_cast %swap3A_162 : vector<1x16xf32> to vector<16xf32>
      %swap3A_164 = vector.shape_cast %broadcast_in_dim3A_158 : vector<16xf32> to vector<1x16xf32>
      tpu.vector_store %arg9[%swap3A_160, %swap3A_161], %swap3A_164 {strides = array<i32>} : memref<4x128xf32, #tpu.memory_space<vmem>>, vector<1x16xf32>,
      %broadcast_in_dim3A_165 = arith.constant 0.000000e+00 : f32
      %broadcast_in_dim3A_166 = vector.broadcast %broadcast_in_dim3A_165 : f32 to vector<16xf32>
      %swap3A_167 = arith.constant 2 : i32
      %swap3A_168 = arith.index_cast %swap3A_167 : i32 to index
      %swap3A_169 = arith.constant 64 : index
      %swap3A_170 = tpu.vector_load %arg9[%swap3A_168, %swap3A_169] {strides = array<i32>} : memref<4x128xf32, #tpu.memory_space<vmem>>, vector<1x16xf32>,
      %swap3A_171 = vector.shape_cast %swap3A_170 : vector<1x16xf32> to vector<16xf32>
      %swap3A_172 = vector.shape_cast %broadcast_in_dim3A_166 : vector<16xf32> to vector<1x16xf32>
      tpu.vector_store %arg9[%swap3A_168, %swap3A_169], %swap3A_172 {strides = array<i32>} : memref<4x128xf32, #tpu.memory_space<vmem>>, vector<1x16xf32>,
      %broadcast_in_dim3A_173 = arith.constant 0.000000e+00 : f32
      %broadcast_in_dim3A_174 = vector.broadcast %broadcast_in_dim3A_173 : f32 to vector<16xf32>
      %swap3A_175 = arith.constant 2 : i32
      %swap3A_176 = arith.index_cast %swap3A_175 : i32 to index
      %swap3A_177 = arith.constant 80 : index
      %swap3A_178 = tpu.vector_load %arg9[%swap3A_176, %swap3A_177] {strides = array<i32>} : memref<4x128xf32, #tpu.memory_space<vmem>>, vector<1x16xf32>,
      %swap3A_179 = vector.shape_cast %swap3A_178 : vector<1x16xf32> to vector<16xf32>
      %swap3A_180 = vector.shape_cast %broadcast_in_dim3A_174 : vector<16xf32> to vector<1x16xf32>
      tpu.vector_store %arg9[%swap3A_176, %swap3A_177], %swap3A_180 {strides = array<i32>} : memref<4x128xf32, #tpu.memory_space<vmem>>, vector<1x16xf32>,
      %broadcast_in_dim3A_181 = arith.constant 0.000000e+00 : f32
      %broadcast_in_dim3A_182 = vector.broadcast %broadcast_in_dim3A_181 : f32 to vector<16xf32>
      %swap3A_183 = arith.constant 2 : i32
      %swap3A_184 = arith.index_cast %swap3A_183 : i32 to index
      %swap3A_185 = arith.constant 96 : index
      %swap3A_186 = tpu.vector_load %arg9[%swap3A_184, %swap3A_185] {strides = array<i32>} : memref<4x128xf32, #tpu.memory_space<vmem>>, vector<1x16xf32>,
      %swap3A_187 = vector.shape_cast %swap3A_186 : vector<1x16xf32> to vector<16xf32>
      %swap3A_188 = vector.shape_cast %broadcast_in_dim3A_182 : vector<16xf32> to vector<1x16xf32>
      tpu.vector_store %arg9[%swap3A_184, %swap3A_185], %swap3A_188 {strides = array<i32>} : memref<4x128xf32, #tpu.memory_space<vmem>>, vector<1x16xf32>,
      %broadcast_in_dim3A_189 = arith.constant 0.000000e+00 : f32
      %broadcast_in_dim3A_190 = vector.broadcast %broadcast_in_dim3A_189 : f32 to vector<16xf32>
      %swap3A_191 = arith.constant 2 : i32
      %swap3A_192 = arith.index_cast %swap3A_191 : i32 to index
      %swap3A_193 = arith.constant 112 : index
      %swap3A_194 = tpu.vector_load %arg9[%swap3A_192, %swap3A_193] {strides = array<i32>} : memref<4x128xf32, #tpu.memory_space<vmem>>, vector<1x16xf32>,
      %swap3A_195 = vector.shape_cast %swap3A_194 : vector<1x16xf32> to vector<16xf32>
      %swap3A_196 = vector.shape_cast %broadcast_in_dim3A_190 : vector<16xf32> to vector<1x16xf32>
      tpu.vector_store %arg9[%swap3A_192, %swap3A_193], %swap3A_196 {strides = array<i32>} : memref<4x128xf32, #tpu.memory_space<vmem>>, vector<1x16xf32>,
      %broadcast_in_dim3A_197 = arith.constant 0.000000e+00 : f32
      %broadcast_in_dim3A_198 = vector.broadcast %broadcast_in_dim3A_197 : f32 to vector<16xf32>
      %swap3A_199 = arith.constant 3 : i32
      %swap3A_200 = arith.index_cast %swap3A_199 : i32 to index
      %swap3A_201 = arith.constant 0 : index
      %swap3A_202 = tpu.vector_load %arg9[%swap3A_200, %swap3A_201] {strides = array<i32>} : memref<4x128xf32, #tpu.memory_space<vmem>>, vector<1x16xf32>,
      %swap3A_203 = vector.shape_cast %swap3A_202 : vector<1x16xf32> to vector<16xf32>
      %swap3A_204 = vector.shape_cast %broadcast_in_dim3A_198 : vector<16xf32> to vector<1x16xf32>
      tpu.vector_store %arg9[%swap3A_200, %swap3A_201], %swap3A_204 {strides = array<i32>} : memref<4x128xf32, #tpu.memory_space<vmem>>, vector<1x16xf32>,
      %broadcast_in_dim3A_205 = arith.constant 0.000000e+00 : f32
      %broadcast_in_dim3A_206 = vector.broadcast %broadcast_in_dim3A_205 : f32 to vector<16xf32>
      %swap3A_207 = arith.constant 3 : i32
      %swap3A_208 = arith.index_cast %swap3A_207 : i32 to index
      %swap3A_209 = arith.constant 16 : index
      %swap3A_210 = tpu.vector_load %arg9[%swap3A_208, %swap3A_209] {strides = array<i32>} : memref<4x128xf32, #tpu.memory_space<vmem>>, vector<1x16xf32>,
      %swap3A_211 = vector.shape_cast %swap3A_210 : vector<1x16xf32> to vector<16xf32>
      %swap3A_212 = vector.shape_cast %broadcast_in_dim3A_206 : vector<16xf32> to vector<1x16xf32>
      tpu.vector_store %arg9[%swap3A_208, %swap3A_209], %swap3A_212 {strides = array<i32>} : memref<4x128xf32, #tpu.memory_space<vmem>>, vector<1x16xf32>,
      %broadcast_in_dim3A_213 = arith.constant 0.000000e+00 : f32
      %broadcast_in_dim3A_214 = vector.broadcast %broadcast_in_dim3A_213 : f32 to vector<16xf32>
      %swap3A_215 = arith.constant 3 : i32
      %swap3A_216 = arith.index_cast %swap3A_215 : i32 to index
      %swap3A_217 = arith.constant 32 : index
      %swap3A_218 = tpu.vector_load %arg9[%swap3A_216, %swap3A_217] {strides = array<i32>} : memref<4x128xf32, #tpu.memory_space<vmem>>, vector<1x16xf32>,
      %swap3A_219 = vector.shape_cast %swap3A_218 : vector<1x16xf32> to vector<16xf32>
      %swap3A_220 = vector.shape_cast %broadcast_in_dim3A_214 : vector<16xf32> to vector<1x16xf32>
      tpu.vector_store %arg9[%swap3A_216, %swap3A_217], %swap3A_220 {strides = array<i32>} : memref<4x128xf32, #tpu.memory_space<vmem>>, vector<1x16xf32>,
      %broadcast_in_dim3A_221 = arith.constant 0.000000e+00 : f32
      %broadcast_in_dim3A_222 = vector.broadcast %broadcast_in_dim3A_221 : f32 to vector<16xf32>
      %swap3A_223 = arith.constant 3 : i32
      %swap3A_224 = arith.index_cast %swap3A_223 : i32 to index
      %swap3A_225 = arith.constant 48 : index
      %swap3A_226 = tpu.vector_load %arg9[%swap3A_224, %swap3A_225] {strides = array<i32>} : memref<4x128xf32, #tpu.memory_space<vmem>>, vector<1x16xf32>,
      %swap3A_227 = vector.shape_cast %swap3A_226 : vector<1x16xf32> to vector<16xf32>
      %swap3A_228 = vector.shape_cast %broadcast_in_dim3A_222 : vector<16xf32> to vector<1x16xf32>
      tpu.vector_store %arg9[%swap3A_224, %swap3A_225], %swap3A_228 {strides = array<i32>} : memref<4x128xf32, #tpu.memory_space<vmem>>, vector<1x16xf32>,
      %broadcast_in_dim3A_229 = arith.constant 0.000000e+00 : f32
      %broadcast_in_dim3A_230 = vector.broadcast %broadcast_in_dim3A_229 : f32 to vector<16xf32>
      %swap3A_231 = arith.constant 3 : i32
      %swap3A_232 = arith.index_cast %swap3A_231 : i32 to index
      %swap3A_233 = arith.constant 64 : index
      %swap3A_234 = tpu.vector_load %arg9[%swap3A_232, %swap3A_233] {strides = array<i32>} : memref<4x128xf32, #tpu.memory_space<vmem>>, vector<1x16xf32>,
      %swap3A_235 = vector.shape_cast %swap3A_234 : vector<1x16xf32> to vector<16xf32>
      %swap3A_236 = vector.shape_cast %broadcast_in_dim3A_230 : vector<16xf32> to vector<1x16xf32>
      tpu.vector_store %arg9[%swap3A_232, %swap3A_233], %swap3A_236 {strides = array<i32>} : memref<4x128xf32, #tpu.memory_space<vmem>>, vector<1x16xf32>,
      %broadcast_in_dim3A_237 = arith.constant 0.000000e+00 : f32
      %broadcast_in_dim3A_238 = vector.broadcast %broadcast_in_dim3A_237 : f32 to vector<16xf32>
      %swap3A_239 = arith.constant 3 : i32
      %swap3A_240 = arith.index_cast %swap3A_239 : i32 to index
      %swap3A_241 = arith.constant 80 : index
      %swap3A_242 = tpu.vector_load %arg9[%swap3A_240, %swap3A_241] {strides = array<i32>} : memref<4x128xf32, #tpu.memory_space<vmem>>, vector<1x16xf32>,
      %swap3A_243 = vector.shape_cast %swap3A_242 : vector<1x16xf32> to vector<16xf32>
      %swap3A_244 = vector.shape_cast %broadcast_in_dim3A_238 : vector<16xf32> to vector<1x16xf32>
      tpu.vector_store %arg9[%swap3A_240, %swap3A_241], %swap3A_244 {strides = array<i32>} : memref<4x128xf32, #tpu.memory_space<vmem>>, vector<1x16xf32>,
      %broadcast_in_dim3A_245 = arith.constant 0.000000e+00 : f32
      %broadcast_in_dim3A_246 = vector.broadcast %broadcast_in_dim3A_245 : f32 to vector<16xf32>
      %swap3A_247 = arith.constant 3 : i32
      %swap3A_248 = arith.index_cast %swap3A_247 : i32 to index
      %swap3A_249 = arith.constant 96 : index
      %swap3A_250 = tpu.vector_load %arg9[%swap3A_248, %swap3A_249] {strides = array<i32>} : memref<4x128xf32, #tpu.memory_space<vmem>>, vector<1x16xf32>,
      %swap3A_251 = vector.shape_cast %swap3A_250 : vector<1x16xf32> to vector<16xf32>
      %swap3A_252 = vector.shape_cast %broadcast_in_dim3A_246 : vector<16xf32> to vector<1x16xf32>
      tpu.vector_store %arg9[%swap3A_248, %swap3A_249], %swap3A_252 {strides = array<i32>} : memref<4x128xf32, #tpu.memory_space<vmem>>, vector<1x16xf32>,
      %broadcast_in_dim3A_253 = arith.constant 0.000000e+00 : f32
      %broadcast_in_dim3A_254 = vector.broadcast %broadcast_in_dim3A_253 : f32 to vector<16xf32>
      %swap3A_255 = arith.constant 3 : i32
      %swap3A_256 = arith.index_cast %swap3A_255 : i32 to index
      %swap3A_257 = arith.constant 112 : index
      %swap3A_258 = tpu.vector_load %arg9[%swap3A_256, %swap3A_257] {strides = array<i32>} : memref<4x128xf32, #tpu.memory_space<vmem>>, vector<1x16xf32>,
      %swap3A_259 = vector.shape_cast %swap3A_258 : vector<1x16xf32> to vector<16xf32>
      %swap3A_260 = vector.shape_cast %broadcast_in_dim3A_254 : vector<16xf32> to vector<1x16xf32>
      tpu.vector_store %arg9[%swap3A_256, %swap3A_257], %swap3A_260 {strides = array<i32>} : memref<4x128xf32, #tpu.memory_space<vmem>>, vector<1x16xf32>,
      "tpu.region"() ({
        %run_scoped3A = tpu.sem_alloc : memref<!tpu.dma_semaphore, #tpu.memory_space<semaphore_mem>>
        tpu.enqueue_dma source(%arg9 : memref<4x128xf32, #tpu.memory_space<vmem>>) target(%arg10 : memref<4x128xf32, #tpu.memory_space<vmem_shared>>) target_semaphore(%run_scoped3A : memref<!tpu.dma_semaphore, #tpu.memory_space<semaphore_mem>>)
        tpu.wait_dma2 semaphore(%run_scoped3A : memref<!tpu.dma_semaphore, #tpu.memory_space<semaphore_mem>>) src(%arg9 : memref<4x128xf32, #tpu.memory_space<vmem>>) dst(%arg10 : memref<4x128xf32, #tpu.memory_space<vmem_shared>>)
        tpu.yield
      }) : () -> ()
      "tpu.region"() ({
        %run_scoped3A = tpu.sem_alloc : memref<!tpu.dma_semaphore, #tpu.memory_space<semaphore_mem>>
        %dma_start3A_324 = arith.constant 0 : i32
        %dma_start3A_325 = arith.constant 0 : i32
        %dma_start3A_326 = tpu.memref_slice %arg10[%dma_start3A_324, %dma_start3A_325] : memref<4x128xf32, #tpu.memory_space<vmem_shared>> -> memref<4x128xf32, #tpu.memory_space<vmem_shared>>
        tpu.enqueue_indirect_dma source(%arg8 : memref<200x128xf32, #tpu.memory_space<vmem>>) target(%dma_start3A_326 : memref<4x128xf32, #tpu.memory_space<vmem_shared>>) offsets(%arg7 : memref<200xi32, #tpu.memory_space<vmem>>) semaphore(%run_scoped3A : memref<!tpu.dma_semaphore, #tpu.memory_space<semaphore_mem>>) {add = true}
        %dma_wait3A_327 = arith.constant 0 : i32
        %dma_wait3A_328 = arith.constant 0 : i32
        %dma_wait3A_329 = tpu.memref_slice %arg10[%dma_wait3A_327, %dma_wait3A_328] : memref<4x128xf32, #tpu.memory_space<vmem_shared>> -> memref<4x128xf32, #tpu.memory_space<vmem_shared>>
        tpu.wait_indirect_dma semaphore(%run_scoped3A : memref<!tpu.dma_semaphore, #tpu.memory_space<semaphore_mem>>) src(%arg8 : memref<200x128xf32, #tpu.memory_space<vmem>>) dst(%dma_wait3A_329 : memref<4x128xf32, #tpu.memory_space<vmem_shared>>)
        tpu.yield
      }) : () -> ()
      "tpu.region"() ({
        %run_scoped3A = tpu.sem_alloc : memref<!tpu.dma_semaphore, #tpu.memory_space<semaphore_mem>>
        tpu.enqueue_dma source(%arg10 : memref<4x128xf32, #tpu.memory_space<vmem_shared>>) target(%arg9 : memref<4x128xf32, #tpu.memory_space<vmem>>) target_semaphore(%run_scoped3A : memref<!tpu.dma_semaphore, #tpu.memory_space<semaphore_mem>>)
        tpu.wait_dma2 semaphore(%run_scoped3A : memref<!tpu.dma_semaphore, #tpu.memory_space<semaphore_mem>>) src(%arg10 : memref<4x128xf32, #tpu.memory_space<vmem_shared>>) dst(%arg9 : memref<4x128xf32, #tpu.memory_space<vmem>>)
        tpu.yield
      }) : () -> ()
      %get3A = arith.constant 0 : i32
      %get3A_261 = arith.index_cast %get3A : i32 to index
      %get3A_262 = arith.constant 0 : index
      %get3A_263 = tpu.vector_load %arg9[%get3A_261, %get3A_262] {strides = array<i32>} : memref<4x128xf32, #tpu.memory_space<vmem>>, vector<1x16xf32>,
      %get3A_264 = vector.shape_cast %get3A_263 : vector<1x16xf32> to vector<16xf32>
      %get3A_265 = arith.constant 1 : i32
      %get3A_266 = arith.index_cast %get3A_265 : i32 to index
      %get3A_267 = arith.constant 32 : index
      %get3A_268 = tpu.vector_load %arg9[%get3A_266, %get3A_267] {strides = array<i32>} : memref<4x128xf32, #tpu.memory_space<vmem>>, vector<1x16xf32>,
      %get3A_269 = vector.shape_cast %get3A_268 : vector<1x16xf32> to vector<16xf32>
      %add3A_270 = arith.addf %get3A_264, %get3A_269 : vector<16xf32>
      %get3A_271 = arith.constant 2 : i32
      %get3A_272 = arith.index_cast %get3A_271 : i32 to index
      %get3A_273 = arith.constant 64 : index
      %get3A_274 = tpu.vector_load %arg9[%get3A_272, %get3A_273] {strides = array<i32>} : memref<4x128xf32, #tpu.memory_space<vmem>>, vector<1x16xf32>,
      %get3A_275 = vector.shape_cast %get3A_274 : vector<1x16xf32> to vector<16xf32>
      %add3A_276 = arith.addf %add3A_270, %get3A_275 : vector<16xf32>
      %get3A_277 = arith.constant 3 : i32
      %get3A_278 = arith.index_cast %get3A_277 : i32 to index
      %get3A_279 = arith.constant 96 : index
      %get3A_280 = tpu.vector_load %arg9[%get3A_278, %get3A_279] {strides = array<i32>} : memref<4x128xf32, #tpu.memory_space<vmem>>, vector<1x16xf32>,
      %get3A_281 = vector.shape_cast %get3A_280 : vector<1x16xf32> to vector<16xf32>
      %add3A_282 = arith.addf %add3A_276, %get3A_281 : vector<16xf32>
      %get3A_283 = arith.constant 0 : i32
      %get3A_284 = arith.index_cast %get3A_283 : i32 to index
      %get3A_285 = arith.constant 16 : index
      %get3A_286 = tpu.vector_load %arg9[%get3A_284, %get3A_285] {strides = array<i32>} : memref<4x128xf32, #tpu.memory_space<vmem>>, vector<1x16xf32>,
      %get3A_287 = vector.shape_cast %get3A_286 : vector<1x16xf32> to vector<16xf32>
      %get3A_288 = arith.constant 1 : i32
      %get3A_289 = arith.index_cast %get3A_288 : i32 to index
      %get3A_290 = arith.constant 48 : index
      %get3A_291 = tpu.vector_load %arg9[%get3A_289, %get3A_290] {strides = array<i32>} : memref<4x128xf32, #tpu.memory_space<vmem>>, vector<1x16xf32>,
      %get3A_292 = vector.shape_cast %get3A_291 : vector<1x16xf32> to vector<16xf32>
      %add3A_293 = arith.addf %get3A_287, %get3A_292 : vector<16xf32>
      %get3A_294 = arith.constant 2 : i32
      %get3A_295 = arith.index_cast %get3A_294 : i32 to index
      %get3A_296 = arith.constant 80 : index
      %get3A_297 = tpu.vector_load %arg9[%get3A_295, %get3A_296] {strides = array<i32>} : memref<4x128xf32, #tpu.memory_space<vmem>>, vector<1x16xf32>,
      %get3A_298 = vector.shape_cast %get3A_297 : vector<1x16xf32> to vector<16xf32>
      %add3A_299 = arith.addf %add3A_293, %get3A_298 : vector<16xf32>
      %get3A_300 = arith.constant 3 : i32
      %get3A_301 = arith.index_cast %get3A_300 : i32 to index
      %get3A_302 = arith.constant 112 : index
      %get3A_303 = tpu.vector_load %arg9[%get3A_301, %get3A_302] {strides = array<i32>} : memref<4x128xf32, #tpu.memory_space<vmem>>, vector<1x16xf32>,
      %get3A_304 = vector.shape_cast %get3A_303 : vector<1x16xf32> to vector<16xf32>
      %add3A_305 = arith.addf %add3A_299, %get3A_304 : vector<16xf32>
      %mul3A_306 = arith.constant 5.000000e-03 : f32
      %mul3A_307 = vector.broadcast %mul3A_306 : f32 to vector<16xf32>
      %mul3A_308 = arith.mulf %add3A_282, %mul3A_307 : vector<16xf32>
      %swap3A_309 = arith.constant 0 : i32
      %swap3A_310 = arith.index_cast %swap3A_309 : i32 to index
      %swap3A_311 = arith.constant 0 : index
      %swap3A_312 = tpu.vector_load %arg11[%swap3A_310, %swap3A_311] {strides = array<i32>} : memref<1x32xf32, #tpu.memory_space<vmem>>, vector<1x16xf32>,
      %swap3A_313 = vector.shape_cast %swap3A_312 : vector<1x16xf32> to vector<16xf32>
      %swap3A_314 = vector.shape_cast %mul3A_308 : vector<16xf32> to vector<1x16xf32>
      tpu.vector_store %arg11[%swap3A_310, %swap3A_311], %swap3A_314 {strides = array<i32>} : memref<1x32xf32, #tpu.memory_space<vmem>>, vector<1x16xf32>,
      %mul3A_315 = arith.constant 5.000000e-03 : f32
      %mul3A_316 = vector.broadcast %mul3A_315 : f32 to vector<16xf32>
      %mul3A_317 = arith.mulf %add3A_305, %mul3A_316 : vector<16xf32>
      %swap3A_318 = arith.constant 0 : i32
      %swap3A_319 = arith.index_cast %swap3A_318 : i32 to index
      %swap3A_320 = arith.constant 16 : index
      %swap3A_321 = tpu.vector_load %arg11[%swap3A_319, %swap3A_320] {strides = array<i32>} : memref<1x32xf32, #tpu.memory_space<vmem>>, vector<1x16xf32>,
      %swap3A_322 = vector.shape_cast %swap3A_321 : vector<1x16xf32> to vector<16xf32>
      %swap3A_323 = vector.shape_cast %mul3A_317 : vector<16xf32> to vector<1x16xf32>
      tpu.vector_store %arg11[%swap3A_319, %swap3A_320], %swap3A_323 {strides = array<i32>} : memref<1x32xf32, #tpu.memory_space<vmem>>, vector<1x16xf32>,
      "tpu.region"() ({
        %run_scoped3A = tpu.sem_alloc : memref<!tpu.dma_semaphore, #tpu.memory_space<semaphore_mem>>
        tpu.enqueue_dma source(%arg11 : memref<1x32xf32, #tpu.memory_space<vmem>>) target(%arg5 : memref<1x32xf32, #tpu.memory_space<hbm>>) target_semaphore(%run_scoped3A : memref<!tpu.dma_semaphore, #tpu.memory_space<semaphore_mem>>)
        tpu.wait_dma2 semaphore(%run_scoped3A : memref<!tpu.dma_semaphore, #tpu.memory_space<semaphore_mem>>) src(%arg11 : memref<1x32xf32, #tpu.memory_space<vmem>>) dst(%arg5 : memref<1x32xf32, #tpu.memory_space<hbm>>)
        tpu.yield
      }) : () -> ()
    } else {
    }
    return
  }
}

module attributes {stable_mosaic.version = 14 : i64} {
  func.func @_logits_body(%arg0: i32, %arg1: memref<4x128xf32, #tpu.memory_space<vmem>>, %arg2: memref<8192x128xf32, #tpu.memory_space<vmem>>, %arg3: memref<1x32768xf32, #tpu.memory_space<vmem>>, %arg4: memref<1x32768xf32, #tpu.memory_space<vmem>>, %arg5: memref<1xf32, #tpu.memory_space<smem>>, %arg6: memref<1xf32, #tpu.memory_space<smem>>, %arg7: memref<1xf32, #tpu.memory_space<smem>>) attributes {dimension_semantics = [#tpu.dimension_semantics<arbitrary>], iteration_bounds = array<i64: 31>, scalar_prefetch = 0 : i64, scratch_operands = 2 : i64, tpu.core_type = #tpu.core_type<tc>, window_params = [{pipeline_mode = #tpu.pipeline_mode<synchronous>, transform_indices = @transform_0, window_bounds = array<i64: 4, 128>}, {transform_indices = @transform_1, window_bounds = array<i64: 8192, 128>}, {transform_indices = @transform_2, window_bounds = array<i64: 1, 32768>}, {transform_indices = @transform_3, window_bounds = array<i64: 1, 32768>}, {transform_indices = @transform_4, window_bounds = array<i64: 1>}]} {
    %get3A = arith.constant 0 : index
    %get3A_0 = arith.constant 0 : index
    %get3A_1 = vector.load %arg1[%get3A, %get3A_0] : memref<4x128xf32, #tpu.memory_space<vmem>>, vector<4x128xf32>
    %get3A_2 = arith.constant 0 : index
    %get3A_3 = arith.constant 0 : index
    %get3A_4 = vector.load %arg2[%get3A_2, %get3A_3] : memref<8192x128xf32, #tpu.memory_space<vmem>>, vector<8192x128xf32>
    %dot_general3A = arith.constant dense<0.000000e+00> : vector<4x8192xf32>
    %dot_general3A_5 = tpu.matmul %get3A_1, %get3A_4, %dot_general3A {dimension_numbers = #tpu.dot_dimension_numbers<[1], [1], [0], [0], [0, 0, 1, 0], [], []>, transpose_lhs_hint = false} : vector<4x128xf32>, vector<8192x128xf32>, vector<4x8192xf32> -> vector<4x8192xf32>
    %einshape_lo3A = vector.shape_cast %dot_general3A_5 : vector<4x8192xf32> to vector<4x256x32xf32>
    %einshape_lo3A_6 = tpu.transpose %einshape_lo3A, [1, 0, 2] : vector<4x256x32xf32> -> vector<256x4x32xf32>
    %einshape_lo3A_7 = vector.shape_cast %einshape_lo3A_6 : vector<256x4x32xf32> to vector<256x128xf32>
    %iota3A = tpu.iota {dimensions = array<i32: 1>} : vector<256x128xi32>
    %jit3A = arith.constant 4 : i32
    %eq3A = arith.constant 0 : i32
    %eq3A_8 = arith.cmpi eq, %jit3A, %eq3A : i32
    %jit3A_9 = arith.constant 1 : i32
    %select_n3A = arith.select %eq3A_8, %jit3A_9, %jit3A : i32
    %rem3A = vector.broadcast %select_n3A : i32 to vector<256x128xi32>
    %rem3A_10 = arith.remsi %iota3A, %rem3A : vector<256x128xi32>
    %ne3A = arith.constant 0 : i32
    %ne3A_11 = vector.broadcast %ne3A : i32 to vector<256x128xi32>
    %ne3A_12 = arith.cmpi ne, %rem3A_10, %ne3A_11 : vector<256x128xi32>
    %lt3A = arith.constant 0 : i32
    %lt3A_13 = vector.broadcast %lt3A : i32 to vector<256x128xi32>
    %lt3A_14 = arith.cmpi slt, %rem3A_10, %lt3A_13 : vector<256x128xi32>
    %lt3A_15 = arith.constant 0 : i32
    %lt3A_16 = arith.cmpi slt, %select_n3A, %lt3A_15 : i32
    %ne3A_17 = vector.broadcast %lt3A_16 : i1 to vector<256x128xi1>
    %ne3A_18 = vector.broadcast %ne3A_17 : vector<256x128xi1> to vector<256x128xi1>
    %ne3A_19 = arith.xori %lt3A_14, %ne3A_18 : vector<256x128xi1>
    %and3A = arith.andi %ne3A_19, %ne3A_12 : vector<256x128xi1>
    %add3A = vector.broadcast %select_n3A : i32 to vector<256x128xi32>
    %add3A_20 = arith.addi %rem3A_10, %add3A : vector<256x128xi32>
    %select_n3A_21 = arith.select %and3A, %add3A_20, %rem3A_10 : vector<256x128xi1>, vector<256x128xi32>
    %mul3A = arith.constant 32 : i32
    %mul3A_22 = vector.broadcast %mul3A : i32 to vector<256x128xi32>
    %mul3A_23 = arith.muli %mul3A_22, %select_n3A_21 : vector<256x128xi32>
    %jit3A_24 = arith.constant 4 : i32
    %div3A = vector.broadcast %jit3A_24 : i32 to vector<256x128xi32>
    %div3A_25 = arith.divsi %iota3A, %div3A : vector<256x128xi32>
    %sign3A = arith.constant 0 : i32
    %sign3A_26 = vector.broadcast %sign3A : i32 to vector<256x128xi32>
    %sign3A_27 = arith.cmpi sgt, %iota3A, %sign3A_26 : vector<256x128xi32>
    %sign3A_28 = arith.extui %sign3A_27 : vector<256x128xi1> to vector<256x128xi32>
    %sign3A_29 = arith.constant 0 : i32
    %sign3A_30 = vector.broadcast %sign3A_29 : i32 to vector<256x128xi32>
    %sign3A_31 = arith.cmpi slt, %iota3A, %sign3A_30 : vector<256x128xi32>
    %sign3A_32 = arith.extui %sign3A_31 : vector<256x128xi1> to vector<256x128xi32>
    %sign3A_33 = arith.subi %sign3A_28, %sign3A_32 : vector<256x128xi32>
    %sign3A_34 = arith.constant 0 : i32
    %sign3A_35 = arith.cmpi sgt, %jit3A_24, %sign3A_34 : i32
    %sign3A_36 = arith.extui %sign3A_35 : i1 to i32
    %sign3A_37 = arith.constant 0 : i32
    %sign3A_38 = arith.cmpi slt, %jit3A_24, %sign3A_37 : i32
    %sign3A_39 = arith.extui %sign3A_38 : i1 to i32
    %sign3A_40 = arith.subi %sign3A_36, %sign3A_39 : i32
    %ne3A_41 = vector.broadcast %sign3A_40 : i32 to vector<256x128xi32>
    %ne3A_42 = arith.cmpi ne, %sign3A_33, %ne3A_41 : vector<256x128xi32>
    %rem3A_43 = vector.broadcast %jit3A_24 : i32 to vector<256x128xi32>
    %rem3A_44 = arith.remsi %iota3A, %rem3A_43 : vector<256x128xi32>
    %ne3A_45 = arith.constant 0 : i32
    %ne3A_46 = vector.broadcast %ne3A_45 : i32 to vector<256x128xi32>
    %ne3A_47 = arith.cmpi ne, %rem3A_44, %ne3A_46 : vector<256x128xi32>
    %and3A_48 = arith.andi %ne3A_42, %ne3A_47 : vector<256x128xi1>
    %sub3A = arith.constant 1 : i32
    %sub3A_49 = vector.broadcast %sub3A : i32 to vector<256x128xi32>
    %sub3A_50 = arith.subi %div3A_25, %sub3A_49 : vector<256x128xi32>
    %select_n3A_51 = arith.select %and3A_48, %sub3A_50, %div3A_25 : vector<256x128xi1>, vector<256x128xi32>
    %add3A_52 = arith.addi %mul3A_23, %select_n3A_51 : vector<256x128xi32>
    %lt3A_53 = arith.constant 0 : i32
    %lt3A_54 = vector.broadcast %lt3A_53 : i32 to vector<256x128xi32>
    %lt3A_55 = arith.cmpi slt, %add3A_52, %lt3A_54 : vector<256x128xi32>
    %add3A_56 = arith.constant 128 : i32
    %add3A_57 = vector.broadcast %add3A_56 : i32 to vector<256x128xi32>
    %add3A_58 = arith.addi %add3A_52, %add3A_57 : vector<256x128xi32>
    %select_n3A_59 = arith.select %lt3A_55, %add3A_58, %add3A_52 : vector<256x128xi1>, vector<256x128xi32>
    %reshape3A = vector.shape_cast %select_n3A_59 : vector<256x128xi32> to vector<256x128x1xi32>
    %gather3A = vector.shape_cast %reshape3A : vector<256x128x1xi32> to vector<256x128xi32>
    %gather3A_60 = tpu.dynamic_gather %einshape_lo3A_7[%gather3A] in [1] : vector<256x128xf32>, vector<256x128xi32> -> vector<256x128xf32>
    %einshape_lo3A_61 = vector.shape_cast %gather3A_60 : vector<256x128xf32> to vector<32768xf32>
    %get3A_62 = arith.constant 0 : index
    %get3A_63 = arith.constant 0 : index
    %get3A_64 = vector.load %arg3[%get3A_62, %get3A_63] : memref<1x32768xf32, #tpu.memory_space<vmem>>, vector<1x32768xf32>
    %get3A_65 = vector.shape_cast %get3A_64 : vector<1x32768xf32> to vector<32768xf32>
    %add3A_66 = arith.addf %einshape_lo3A_61, %get3A_65 : vector<32768xf32>
    %swap3A = arith.constant 0 : index
    %swap3A_67 = arith.constant 0 : index
    %swap3A_68 = vector.load %arg4[%swap3A, %swap3A_67] : memref<1x32768xf32, #tpu.memory_space<vmem>>, vector<1x32768xf32>
    %swap3A_69 = vector.shape_cast %swap3A_68 : vector<1x32768xf32> to vector<32768xf32>
    %swap3A_70 = vector.shape_cast %add3A_66 : vector<32768xf32> to vector<1x32768xf32>
    tpu.vector_store %arg4[%swap3A, %swap3A_67], %swap3A_70 {strides = array<i32>} : memref<1x32768xf32, #tpu.memory_space<vmem>>, vector<1x32768xf32>,
    %mul3A_71 = arith.constant 32768 : i32
    %mul3A_72 = arith.muli %arg0, %mul3A_71 : i32
    %iota3A_73 = tpu.iota {dimensions = array<i32: 1>} : vector<1x32768xi32>
    %iota3A_74 = vector.shape_cast %iota3A_73 : vector<1x32768xi32> to vector<32768xi32>
    %add3A_75 = vector.broadcast %mul3A_72 : i32 to vector<32768xi32>
    %add3A_76 = arith.addi %add3A_75, %iota3A_74 : vector<32768xi32>
    %lt3A_77 = arith.constant 1000000 : i32
    %lt3A_78 = vector.broadcast %lt3A_77 : i32 to vector<32768xi32>
    %lt3A_79 = arith.cmpi slt, %add3A_76, %lt3A_78 : vector<32768xi32>
    %jit3A_80 = arith.constant -3.000000e+38 : f32
    %broadcast_in_dim3A = vector.broadcast %jit3A_80 : f32 to vector<32768xf32>
    %select_n3A_81 = arith.select %lt3A_79, %add3A_66, %broadcast_in_dim3A : vector<32768xi1>, vector<32768xf32>
    %reduce_max3A = vector.shape_cast %select_n3A_81 : vector<32768xf32> to vector<1x32768xf32>
    %reduce_max3A_82 = arith.constant dense<0xFF800000> : vector<1xf32>
    %reduce_max3A_83 = vector.multi_reduction <maximumf>, %reduce_max3A, %reduce_max3A_82 [1] : vector<1x32768xf32> to vector<1xf32>
    %reduce_max3A_84 = vector.shape_cast %reduce_max3A_83 : vector<1xf32> to vector<1x1xf32>
    %reduce_max3A_85 = vector.extract %reduce_max3A_84[0, 0] : f32 from vector<1x1xf32>
    %sub3A_86 = vector.broadcast %reduce_max3A_85 : f32 to vector<32768xf32>
    %sub3A_87 = arith.subf %select_n3A_81, %sub3A_86 : vector<32768xf32>
    %exp3A = math.exp %sub3A_87 : vector<32768xf32>
    %reduce_sum3A = vector.shape_cast %exp3A : vector<32768xf32> to vector<1x32768xf32>
    %reduce_sum3A_88 = arith.constant dense<0.000000e+00> : vector<1xf32>
    %reduce_sum3A_89 = vector.multi_reduction <add>, %reduce_sum3A, %reduce_sum3A_88 [1] : vector<1x32768xf32> to vector<1xf32>
    %reduce_sum3A_90 = vector.shape_cast %reduce_sum3A_89 : vector<1xf32> to vector<1x1xf32>
    %reduce_sum3A_91 = vector.extract %reduce_sum3A_90[0, 0] : f32 from vector<1x1xf32>
    %eq3A_92 = arith.constant 0 : i32
    %eq3A_93 = arith.cmpi eq, %arg0, %eq3A_92 : i32
    %convert_element_type3A = arith.extui %eq3A_93 : i1 to i32
    %cond3A = arith.constant 0 : i32
    %cond3A_94 = arith.cmpi ne, %convert_element_type3A, %cond3A : i32
    scf.if %cond3A_94 {
      %swap3A_104 = arith.constant 0 : index
      %swap3A_105 = memref.load %arg6[%swap3A_104] : memref<1xf32, #tpu.memory_space<smem>>
      memref.store %reduce_max3A_85, %arg6[%swap3A_104] : memref<1xf32, #tpu.memory_space<smem>>
      %swap3A_106 = arith.constant 0 : index
      %swap3A_107 = memref.load %arg7[%swap3A_106] : memref<1xf32, #tpu.memory_space<smem>>
      memref.store %reduce_sum3A_91, %arg7[%swap3A_106] : memref<1xf32, #tpu.memory_space<smem>>
    } else {
    }
    %gt3A = arith.constant 0 : i32
    %gt3A_95 = arith.cmpi sgt, %arg0, %gt3A : i32
    %convert_element_type3A_96 = arith.extui %gt3A_95 : i1 to i32
    %cond3A_97 = arith.constant 0 : i32
    %cond3A_98 = arith.cmpi ne, %convert_element_type3A_96, %cond3A_97 : i32
    scf.if %cond3A_98 {
      %get3A_104 = arith.constant 0 : index
      %get3A_105 = memref.load %arg6[%get3A_104] : memref<1xf32, #tpu.memory_space<smem>>
      %get3A_106 = arith.constant 0 : index
      %get3A_107 = memref.load %arg7[%get3A_106] : memref<1xf32, #tpu.memory_space<smem>>
      %max3A = arith.maximumf %get3A_105, %reduce_max3A_85 : f32
      %swap3A_108 = arith.constant 0 : index
      %swap3A_109 = memref.load %arg6[%swap3A_108] : memref<1xf32, #tpu.memory_space<smem>>
      memref.store %max3A, %arg6[%swap3A_108] : memref<1xf32, #tpu.memory_space<smem>>
      %sub3A_110 = arith.subf %get3A_105, %max3A : f32
      %exp3A_111 = math.exp %sub3A_110 : f32
      %mul3A_112 = arith.mulf %get3A_107, %exp3A_111 : f32
      %sub3A_113 = arith.subf %reduce_max3A_85, %max3A : f32
      %exp3A_114 = math.exp %sub3A_113 : f32
      %mul3A_115 = arith.mulf %reduce_sum3A_91, %exp3A_114 : f32
      %add3A_116 = arith.addf %mul3A_112, %mul3A_115 : f32
      %swap3A_117 = arith.constant 0 : index
      %swap3A_118 = memref.load %arg7[%swap3A_117] : memref<1xf32, #tpu.memory_space<smem>>
      memref.store %add3A_116, %arg7[%swap3A_117] : memref<1xf32, #tpu.memory_space<smem>>
    } else {
    }
    %eq3A_99 = arith.constant 30 : i32
    %eq3A_100 = arith.cmpi eq, %arg0, %eq3A_99 : i32
    %convert_element_type3A_101 = arith.extui %eq3A_100 : i1 to i32
    %cond3A_102 = arith.constant 0 : i32
    %cond3A_103 = arith.cmpi ne, %convert_element_type3A_101, %cond3A_102 : i32
    scf.if %cond3A_103 {
      %get3A_104 = arith.constant 0 : index
      %get3A_105 = memref.load %arg6[%get3A_104] : memref<1xf32, #tpu.memory_space<smem>>
      %get3A_106 = arith.constant 0 : index
      %get3A_107 = memref.load %arg7[%get3A_106] : memref<1xf32, #tpu.memory_space<smem>>
      %log3A = math.log %get3A_107 : f32
      %add3A_108 = arith.addf %get3A_105, %log3A : f32
      %swap3A_109 = arith.constant 0 : index
      %swap3A_110 = memref.load %arg5[%swap3A_109] : memref<1xf32, #tpu.memory_space<smem>>
      memref.store %add3A_108, %arg5[%swap3A_109] : memref<1xf32, #tpu.memory_space<smem>>
    } else {
    }
    return
  }
  func.func @transform_0(%arg0: i32) -> (i32, i32) {
    %c0_i32 = arith.constant 0 : i32
    %c0_i32_0 = arith.constant 0 : i32
    %c0_i32_1 = arith.constant 0 : i32
    return %c0_i32, %c0_i32_0 : i32, i32
  }
  func.func @transform_1(%arg0: i32) -> (i32, i32) {
    %c0_i32 = arith.constant 0 : i32
    %c0_i32_0 = arith.constant 0 : i32
    return %arg0, %c0_i32 : i32, i32
  }
  func.func @transform_2(%arg0: i32) -> (i32, i32) {
    %c0_i32 = arith.constant 0 : i32
    %c0_i32_0 = arith.constant 0 : i32
    return %c0_i32, %arg0 : i32, i32
  }
  func.func @transform_3(%arg0: i32) -> (i32, i32) {
    %c0_i32 = arith.constant 0 : i32
    %c0_i32_0 = arith.constant 0 : i32
    return %c0_i32, %arg0 : i32, i32
  }
  func.func @transform_4(%arg0: i32) -> i32 {
    %c0_i32 = arith.constant 0 : i32
    %c0_i32_0 = arith.constant 0 : i32
    return %c0_i32 : i32
  }
}

module attributes {stable_mosaic.version = 14 : i64} {
  func.func @_sub_body(%arg0: i32, %arg1: memref<1xf32, #tpu.memory_space<smem>>, %arg2: memref<1x131072xf32, #tpu.memory_space<vmem>>, %arg3: memref<1x131072xf32, #tpu.memory_space<vmem>>) attributes {dimension_semantics = [#tpu.dimension_semantics<arbitrary>], iteration_bounds = array<i64: 8>, scalar_prefetch = 0 : i64, scratch_operands = 0 : i64, tpu.core_type = #tpu.core_type<tc>, window_params = [{transform_indices = @transform_0, window_bounds = array<i64: 1>}, {transform_indices = @transform_1, window_bounds = array<i64: 1, 131072>}, {transform_indices = @transform_2, window_bounds = array<i64: 1, 131072>}]} {
    %get3A = arith.constant 0 : index
    %get3A_0 = arith.constant 0 : index
    %get3A_1 = vector.load %arg2[%get3A, %get3A_0] : memref<1x131072xf32, #tpu.memory_space<vmem>>, vector<1x131072xf32>
    %get3A_2 = arith.constant 0 : index
    %get3A_3 = memref.load %arg1[%get3A_2] : memref<1xf32, #tpu.memory_space<smem>>
    %sub3A = vector.broadcast %get3A_3 : f32 to vector<1x131072xf32>
    %sub3A_4 = arith.subf %get3A_1, %sub3A : vector<1x131072xf32>
    %swap3A = arith.constant 0 : index
    %swap3A_5 = arith.constant 0 : index
    %swap3A_6 = vector.load %arg3[%swap3A, %swap3A_5] : memref<1x131072xf32, #tpu.memory_space<vmem>>, vector<1x131072xf32>
    tpu.vector_store %arg3[%swap3A, %swap3A_5], %sub3A_4 {strides = array<i32>} : memref<1x131072xf32, #tpu.memory_space<vmem>>, vector<1x131072xf32>,
    return
  }
  func.func @transform_0(%arg0: i32) -> i32 {
    %c0_i32 = arith.constant 0 : i32
    %c0_i32_0 = arith.constant 0 : i32
    return %c0_i32 : i32
  }
  func.func @transform_1(%arg0: i32) -> (i32, i32) {
    %c0_i32 = arith.constant 0 : i32
    %c0_i32_0 = arith.constant 0 : i32
    return %c0_i32, %arg0 : i32, i32
  }
  func.func @transform_2(%arg0: i32) -> (i32, i32) {
    %c0_i32 = arith.constant 0 : i32
    %c0_i32_0 = arith.constant 0 : i32
    return %c0_i32, %arg0 : i32, i32
  }
}

</mosaic_0001>

<sc_bundles>
// kernel: kernel.5.cloned.1.call-start
scs
__scs_entry_jumppad:
0x0: {  	(pc) =	sbr.rel $0x88, $3  }
0x1: {  	(tag) =	ssettag $0x0;
	lr =	simm.s32 $0x1  }
0x2: {  	[smem:$0x3F9D] =	sst lr;
	_ =	strace $0xD0000000  }
0x3: {  	_ = 	snop  }
0x4: {  	_ = 	snop  }
0x5: {  	_ = 	snop  }
0x6: {  	_ = 	snop  }
0x7: {  	_ = 	snop  }
__scs_overlays_trampoline_lowered:
0x8: {  	[smem:$0x3FAC] =	sst s0  }
0x9: {  	[smem:$0x3FAD] =	sst s1  }
0xa: {  	[smem:$0x3FAE] =	sst s2  }
0xb: {  	[smem:$0x3FAF] =	sst s3  }
0xc: {  	[smem:$0x3FB0] =	sst s4  }
0xd: {  	[smem:$0x3FB1] =	sst s5  }
0xe: {  	[smem:$0x3FB2] =	sst s6  }
0xf: {  	[smem:$0x3FB3] =	sst s7  }
0x10: {  	[smem:$0x3FB4] =	sst s8  }
0x11: {  	[smem:$0x3FB5] =	sst s9;
	s0 =	simm.s32 @!p0 $0x0  }
0x12: {  	s1 =	sld [smem:$0x3F9B];
	s0 =	simm.s32 @p0 $0x1  }
0x13: {  	[smem:$0x3FB6] =	sst s0;
	s0 =	simm.s32 @!p1 $0x0  }
0x14: {  	s2 =	sld [smem:$0x3F9A];
	s0 =	simm.s32 @p1 $0x1  }
0x15: {  	[smem:$0x3FB7] =	sst s0;
	s0 =	simm.s32 @!p2 $0x0  }
0x16: {  	s3 =	sld [smem:$0x3FDB];
	s0 =	simm.s32 @p2 $0x1  }
0x17: {  	s4 =	simm.s32 $0x1BF5;
	[smem:$0x3FB9] =	sst s0  }
0x18: {  	s0 =	sld [smem:$0x3F9C];
	_ =	swait.ge [sflag:s4], $0x0  }
0x19: {  	s7 =	sld [smem:$0x3F9D]  }
0x1a: {  	s8 =	sadd.s32 $0xFFFFE003, lr  }
0x1b: {  	s9 =	sadd.s32 $0xFFFFFEF7, lr;
	s5 =	simm.s32 $0xFFFFFFFF;
	p2 =	slt.u32 s8, $0xFFFFF086  }
0x1c: {  	p1 =	slt.u32 s9, $0xF7A;
	s5 =	simm.s32 @!p2 $0x0  }
0x1d: {  	s5 =	simm.s32 @p1 $0x1;
	p0 =	seq.s32 s7, s2  }
0x1e: {  	s7 =	smul.u32 @!p0 $0xF7A, s2;
	p2 =	seq.s32 @!p0 s5, $0x0  }
0x1f: {  	s9 =	smul.u32 $0xF7A, s1;
	s8 =	simm.s32 @!p0 $0x1BF5;
	p2 =	por !p2, p0  }
0x20: {  	[sflag:s8] =	ssyncset.s32 @!p0 $0xFFFFF086;
	s6 =	sadd.s32 @!p0 s3, s7;
	s7 =	simm.s32 @!p0 $0x108  }
0x21: {  	s3 =	sadd.s32 s3, s9;
	s6 =	sadd.s32 @!p0 $0x88, s6;
	s7 =	simm.s32 @p2 $0x1082  }
0x22: {  	[simem:s7], [sflag:s8] =	dma.local @!p0 [hbm:s6], $0xF7A  }
0x23: {  	s9 =	sor.u32 $0xD0000000, s2;
	s6 =	simm.s32 $0x108;
	_ =	swait.ge @!p0 [sflag:s8], $0x0  }
0x24: {  	s3 =	sadd.s32 $0x88, s3;
	s6 =	simm.s32 @!p1 $0x1082;
	[sflag:s4] =	ssyncset.s32 $0xFFFFF086  }
0x25: {  	[simem:s6], [sflag:s4] =	dma.local [hbm:s3], $0xF7A  }
0x26: {  	[smem:$0x3F9D] =	sst s1;
	(tag) =	ssettag s2;
	_ =	strace s9  }
0x27: {  	s1 =	sld [smem:$0x3FAD]  }
0x28: {  	s2 =	sld [smem:$0x3FAE]  }
0x29: {  	s4 =	sld [smem:$0x3FB0]  }
0x2a: {  	p0 =	seq.s32 s5, $0x0;
	s5 =	sld [smem:$0x3FB1]  }
0x2b: {  	s6 =	sld [smem:$0x3FB2]  }
0x2c: {  	s7 =	sld [smem:$0x3FB3]  }
0x2d: {  	s3 =	simm.s32 $0x108;
	s8 =	sld [smem:$0x3FB4]  }
0x2e: {  	s3 =	simm.s32 @!p0 $0x1082;
	s9 =	sld [smem:$0x3FB5]  }
0x2f: {  	lr =	sadd.s32 s0, s3;
	s0 =	sld [smem:$0x3FAC]  }
0x30: {  	s3 =	sld [smem:$0x3FAF]  }
0x31: {  	[smem:$0x3FB8] =	sst s10  }
0x32: {  	s10 =	sld [smem:$0x3FB6];
	_ =	sdelay $0x3  }
0x33: {  	p0 =	seq.s32 s10, $0x1;
	s10 =	sld [smem:$0x3FB8];
	_ =	sdelay $0x3  }
0x34: {  	[smem:$0x3FB8] =	sst s10  }
0x35: {  	s10 =	sld [smem:$0x3FB7];
	_ =	sdelay $0x3  }
0x36: {  	p1 =	seq.s32 s10, $0x1;
	s10 =	sld [smem:$0x3FB8];
	_ =	sdelay $0x3  }
0x37: {  	[smem:$0x3FB8] =	sst s10  }
0x38: {  	s10 =	sld [smem:$0x3FB9]  }
0x39: {  	_ = 	snop;
	(pc) =	sbr.ind lr, $3  }
0x3a: {  	_ = 	snop  }
0x3b: {  	_ = 	snop  }
0x3c: {  	p2 =	seq.s32 s10, $0x1;
	s10 =	sld [smem:$0x3FB8]  }
0x3d: {  	_ =	shalt  }
0x3e: {  	_ =	shalt  }
0x3f: {  	_ =	shalt  }
0x40: {  	_ =	shalt  }
0x41: {  	_ =	shalt  }
0x42: {  	_ =	shalt  }
0x43: {  	_ =	shalt  }
0x44: {  	_ =	shalt  }
0x45: {  	_ =	shalt  }
0x46: {  	_ =	shalt  }
0x47: {  	_ =	shalt  }
0x48: {  	_ =	shalt  }
0x49: {  	_ =	shalt  }
0x4a: {  	_ =	shalt  }
0x4b: {  	_ =	shalt  }
0x4c: {  	_ =	shalt  }
0x4d: {  	_ =	shalt  }
0x4e: {  	_ =	shalt  }
0x4f: {  	_ =	shalt  }
0x50: {  	_ =	shalt  }
0x51: {  	_ =	shalt  }
0x52: {  	_ =	shalt  }
0x53: {  	_ =	shalt  }
0x54: {  	_ =	shalt  }
0x55: {  	_ =	shalt  }
0x56: {  	_ =	shalt  }
0x57: {  	_ =	shalt  }
0x58: {  	_ =	shalt  }
0x59: {  	_ =	shalt  }
0x5a: {  	_ =	shalt  }
0x5b: {  	_ =	shalt  }
0x5c: {  	_ =	shalt  }
0x5d: {  	_ =	shalt  }
0x5e: {  	_ =	shalt  }
0x5f: {  	_ =	shalt  }
0x60: {  	_ =	shalt  }
0x61: {  	_ =	shalt  }
0x62: {  	_ =	shalt  }
0x63: {  	_ =	shalt  }
0x64: {  	_ =	shalt  }
0x65: {  	_ =	shalt  }
0x66: {  	_ =	shalt  }
0x67: {  	_ =	shalt  }
0x68: {  	_ =	shalt  }
0x69: {  	_ =	shalt  }
0x6a: {  	_ =	shalt  }
0x6b: {  	_ =	shalt  }
0x6c: {  	_ =	shalt  }
0x6d: {  	_ =	shalt  }
0x6e: {  	_ =	shalt  }
0x6f: {  	_ =	shalt  }
0x70: {  	_ =	shalt  }
0x71: {  	_ =	shalt  }
0x72: {  	_ =	shalt  }
0x73: {  	_ =	shalt  }
0x74: {  	_ =	shalt  }
0x75: {  	_ =	shalt  }
0x76: {  	_ =	shalt  }
0x77: {  	_ =	shalt  }
0x78: {  	_ =	shalt  }
0x79: {  	_ =	shalt  }
0x7a: {  	_ =	shalt  }
0x7b: {  	_ =	shalt  }
0x7c: {  	_ =	shalt  }
0x7d: {  	_ =	shalt  }
0x7e: {  	_ =	shalt  }
0x7f: {  	_ =	shalt  }
0x80: {  	_ =	shalt  }
0x81: {  	_ =	shalt  }
0x82: {  	_ =	shalt  }
0x83: {  	_ =	shalt  }
0x84: {  	_ =	shalt  }
0x85: {  	_ =	shalt  }
0x86: {  	_ =	shalt  }
0x87: {  	_ =	shalt  }
.Lfunc_end0:
.L_simem_size_0:
called_computation_lowered:
.L_overlay_start_0:
0x88: {  	s2 =	sld [smem:$0x3FD9]  }
0x89: {  	s3 =	sld [smem:$0x3FFE];
	_ =	sdelay $0x1  }
0x8a: {  	s1 =	srdreg.scid  }
0x8b: {  	s0 =	sand.u32 $0x1, s1  }
0x8c: {  	s16 =	sshll.u32 s0, $0xA;
	s2 =	sadd.s32 s3, s2  }
0x8d: {  	s2 =	sadd.s32 s2, s16  }
0x8e: {  	[smem:$0x3FC4] =	sst s2  }
0x8f: {  	_ = 	snop  }
0x90: {  	(tm) =	ssettm $0x1  }
0x91: {  	s17 =	sld [smem:$0x3FFB];
	_ =	sdelay $0x3  }
0x92: {  	_ =	strace s17  }
0x93: {  	s2 =	sld [smem:$0x3FFC];
	_ =	sdelay $0x3  }
0x94: {  	_ =	strace s2  }
0x95: {  	s2 =	sld [smem:$0x3FFD];
	_ =	sdelay $0x3  }
0x96: {  	_ =	strace s2  }
0x97: {  	_ =	strace $0x8FFFFFFF  }
0x98: {  	s18 =	sld [smem:$0x3FDB];
	_ =	sdelay $0x1  }
0x99: {  	s19 =	simm.s32 $_scs_section_size  }
0x9a: {  	s4 =	simm.s32 $_size__tile_overlayer_lowered;
	s5 =	simm.s32 $_tile_overlayer_lowered  }
0x9b: {  	s22 =	simm.s32 $0x1BFF;
	s21 =	sshll.u32 s5, $0x1;
	s2 =	sadd.s32 s19, s18  }
0x9c: {  	s6 =	simm.s32 $0x0;
	s20 =	sshll.u32 s4, $0x1;
	s4 =	sadd.s32 s21, s2  }
0x9d: {  	[timem:s6], [sflag:s22] =	dma.local [hbm:s4], s20  }
0x9e: {  	_ =	swait.ge [sflag:s22], s20  }
0x9f: {  	s3 =	ssub.s32 $0x0, s20;
	[sflag:s22] =	ssyncset.done $0x0  }
0xa0: {  	[sflag:s22] =	ssyncadd.s32 s3;
	_ =	sdelay $0x1  }
0xa1: {  	s23 =	simm.s32 $0x1B8B  }
0xa2: {  	_ =	swait.ge [sflag:s23], $0x1  }
0xa3: {  	[sflag:s23] =	ssyncset.done $0x0  }
0xa4: {  	s25 =	simm.s32 $0x1B8E;
	s24 =	sld [smem:$0x3FFE];
	[sflag:s23] =	ssyncadd.s32 $0xFFFFFFFF  }
0xa5: {  	s26 =	simm.s32 $execute0_lowered;
	[smem:$0x3FD2] =	sst s25  }
0xa6: {  	s4 =	sshll.u32 s26, $0x1;
	_ =	strace $0x80000046;
	[dreg:$0x1] =	wrdreg $0xFFFFFFFF  }
0xa7: {  	s28 =	simm.s32 $_size_execute0_lowered;
	s2 =	sadd.s32 s2, s4;
	[dreg:$0x0] =	wrdreg $0x0  }
0xa8: {  	s4 =	sshll.u32 s28, $0x1;
	[dreg:$0x2] =	wrdreg s2  }
0xa9: {  	[dreg:$0x3] =	wrdreg s4  }
0xaa: {  	[dreg:$0x4] =	wrdreg $0xC0  }
0xab: {  	_ =	task [dreg:s6], $0x5FFFF  }
0xac: {  	[dreg:$0x1] =	wrdreg $0xFFFFFFFF  }
0xad: {  	[dreg:$0x0] =	wrdreg $0x60  }
0xae: {  	[dreg:$0x2] =	wrdreg s24  }
0xaf: {  	[dreg:$0x3] =	wrdreg $0x68000  }
0xb0: {  	[dreg:$0x4] =	wrdreg $0x9  }
0xb1: {  	_ =	task.clear_ibuf [dreg:s6], $0x5FFFF;
	_ =	strace $0x90000046  }
0xb2: {  	s29 =	simm.s32 $0x9;
	_ =	strace $0x80000048  }
0xb3: {  	_ =	swait.ge [sflag:s29], $0x1  }
0xb4: {  	[sflag:s29] =	ssyncadd.s32 $0xFFFFFFFF  }
0xb5: {  	_ =	strace $0x90000048  }
0xb6: {  	_ =	sfence  }
0xb7: {  	s30 =	sld [smem:$0x0];
	_ =	sdelay $0x2  }
0xb8: {  	s31 =	sshll.u32 s1, $0xD;
	s1 =	sshrl.u32 s1, $0x2  }
0xb9: {  	s3 =	sand.u32 $0x4000, s31;
	s1 =	sadd.s32 s1, s30  }
0xba: {  	s0 =	sor.u32 s3, s0;
	s1 =	sshll.u32 s1, $0x11  }
0xbb: {  	s0 =	sor.u32 s1, s0  }
0xbc: {  	s0 =	sadd.s32 $0x8F2B, s0  }
0xbd: {  	[sflag:s0] =	ssyncadd.remote.s32 $0x1  }
0xbe: {  	_ =	sfence.sel $0xFFFF  }
0xbf: {  	[dreg:$0x0] =	wrdreg $0xFFFFFFFF;
	(pc) =	sbr.abs _section_cstart, $3  }
0xc0: {  	[dreg:$0x1] =	wrdreg $0xFFFFFFFF  }
0xc1: {  	_ =	task.clear_ibuf [dreg:s6], $0x2FFFF;
	_ =	strace $0x9FFFFFFF  }
0xc2: {  	(tm) =	ssettm $0x7FFFFFFF  }
0xc3: {  	_ =	shalt  }
tec
execute0_lowered:
.L_overlay_start_1:
0x0: {  	(tag) =	ssettag $0x1  }
0x1: {  	s0 =	srdreg.scid  }
0x2: {  	s8 =	sand.u32 $0x1, s0;
	s0 =	stileid.u32  }
0x3: {  	s2 =	sshll.u32 s0, $0x1;
	s3 =	ssub.s32 $0x0, s8  }
0x4: {  	p0 =	sne.s32 s2, s3  }
.Ltmp0:
0x5: {  	_ = 	snop;
	(pc) =	sbr.rel @p0 .LBB2_4-.Ltmp0, $4  }
0x6: {  	_ = 	snop  }
0x7: {  	s6 =	rddreg [dreg:$0x0]  }
0x8: {  	s4 =	rddreg [dreg:$0x1]  }
0x9: {  	s1 =	rddreg [dreg:$0x2];
	_ =	strace $0x80000047  }
0xa: {  	s10 =	sadd.s32 $0xE00, s6;
	s3 =	simm.s32 $0x0;
	s2 =	simm.s32 $0x2  }
0xb: {  	[tilespmem:s3], [sflag:$0x2] =	stream.linear.gather [hbm4b:s10+s3], $0x100, $0x38;
	[tilespmem:$0x68A0] =	vst v63  }
0xc: {  	_ =	swait.ge [sflag:s2], $0x100  }
0xd: {  	[sflag:s2] =	ssyncset.done $0x0  }
0xe: {  	s12 =	sadd.s32 $0xC00, s6;
	s5 =	simm.s32 $0x100;
	[sflag:s2] =	ssyncadd.s32 $0xFFFFFF00  }
0xf: {  	[tilespmem:s5], [sflag:$0x2] =	stream.linear.gather [hbm4b:s12+s3], $0x100, $0x38;
	[tilespmem:$0x68A0] =	vst v63  }
0x10: {  	_ =	swait.ge [sflag:s2], $0x100  }
0x11: {  	s13 =	sadd.s32 $0xF43400, s6;
	s7 =	simm.s32 $0xC8;
	[sflag:s2] =	ssyncset.done $0x0  }
0x12: {  	s9 =	simm.s32 $0x200;
	s14 =	simm.s32 $0x1;
	[sflag:s2] =	ssyncadd.s32 $0xFFFFFF00  }
0x13: {  	[tilespmem:s9], [sflag:$0x1] =	stream.indirect.gather [hbm4b:s13+s7], $0x80, s3, s7, $0xb8;
	[tilespmem:$0x68A0] =	vst v63  }
0x14: {  	_ =	swait.ge [sflag:s14], $0x6400  }
0x15: {  	[sflag:s14] =	ssyncset.done $0x0  }
0x16: {  	v0 =	vimm.f32 $0.0e+00;
	[sflag:s14] =	ssyncadd.s32 $0xFFFF9C00  }
0x17: {  	s8 =	ssub.s32 $0x2, s8;
	[tilespmem:$0x6690] =	vst v0  }
0x18: {  	s11 =	sshrl.u32 s8, $0x1;
	[tilespmem:$0x6680] =	vst v0  }
0x19: {  	s8 =	ssub.s32 s8, s11;
	[tilespmem:$0x6670] =	vst v0  }
0x1a: {  	s15 =	smax.u32 s8, $0x1;
	[tilespmem:$0x6660] =	vst v0  }
0x1b: {  	p0 =	sne.s32 s15, $0x1;
	[tilespmem:$0x6650] =	vst v0  }
.Ltmp1:
0x1c: {  	[tilespmem:$0x6640] =	vst v0;
	(pc) =	sbr.rel @!p0 .LBB2_3-.Ltmp1, $4  }
0x1d: {  	[tilespmem:$0x6630] =	vst v0  }
0x1e: {  	[tilespmem:$0x6620] =	vst v0  }
0x1f: {  	s6 =	sadd.s32 $0x1000, s6;
	[tilespmem:$0x6600] =	vst v0  }
0x20: {  	s11 =	simm.s32 $0x6600;
	s8 =	simm.s32 $0x6820;
	s15 =	sadd.s32 $0xFFFFFFFF, s15;
	[tilespmem:$0x6610] =	vst v0  }
.LBB2_2:
0x21: {  	p0 =	sne.s32 s15, $0x1;
	s15 =	sadd.s32 $0xFFFFFFFF, s15;
	[tilespmem:$0x66A0] =	vst v0  }
0x22: {  	[tilespmem:$0x66B0] =	vst v0  }
0x23: {  	[tilespmem:$0x66C0] =	vst v0  }
0x24: {  	[tilespmem:$0x66D0] =	vst v0  }
0x25: {  	[tilespmem:$0x66E0] =	vst v0  }
0x26: {  	[tilespmem:$0x66F0] =	vst v0  }
0x27: {  	[tilespmem:$0x6700] =	vst v0  }
0x28: {  	[tilespmem:$0x6710] =	vst v0  }
0x29: {  	[tilespmem:$0x6720] =	vst v0  }
0x2a: {  	[tilespmem:$0x6730] =	vst v0  }
0x2b: {  	[tilespmem:$0x6740] =	vst v0  }
0x2c: {  	[tilespmem:$0x6750] =	vst v0  }
0x2d: {  	[tilespmem:$0x6760] =	vst v0  }
0x2e: {  	[tilespmem:$0x6770] =	vst v0  }
0x2f: {  	[tilespmem:$0x6780] =	vst v0  }
0x30: {  	[tilespmem:$0x6790] =	vst v0  }
0x31: {  	[tilespmem:$0x67A0] =	vst v0  }
0x32: {  	[tilespmem:$0x67B0] =	vst v0  }
0x33: {  	[tilespmem:$0x67C0] =	vst v0  }
0x34: {  	[tilespmem:$0x67D0] =	vst v0  }
0x35: {  	[tilespmem:$0x67E0] =	vst v0  }
0x36: {  	[tilespmem:$0x67F0] =	vst v0  }
0x37: {  	[spmem:s4] =	stream.linear.scatter [tilespmem:s11], [sflag:$0x2], $0x200, $0x38;
	[tilespmem:$0x68A0] =	vst v63  }
0x38: {  	_ =	swait.ge [sflag:s2], $0x200  }
0x39: {  	[sflag:s2] =	ssyncset.done $0x0  }
0x3a: {  	[sflag:s2] =	ssyncadd.s32 $0xFFFFFE00  }
0x3b: {  	[spmem:s4] =	stream.indirect.scatter.add.f32 [tilespmem:s9], [sflag:$0x2], $0x80, s5, s7, $0xb8;
	[tilespmem:$0x68A0] =	vst v63  }
0x3c: {  	_ =	swait.ge [sflag:s2], $0x6400  }
0x3d: {  	[sflag:s2] =	ssyncset.done $0x0  }
0x3e: {  	[sflag:s2] =	ssyncadd.s32 $0xFFFF9C00  }
0x3f: {  	[tilespmem:s11], [sflag:$0x2] =	stream.linear.gather [spmem:s4], $0x200, $0x38;
	[tilespmem:$0x68A0] =	vst v63  }
0x40: {  	_ =	swait.ge [sflag:s2], $0x200  }
0x41: {  	[sflag:s2] =	ssyncset.done $0x0  }
0x42: {  	[sflag:s2] =	ssyncadd.s32 $0xFFFFFE00  }
0x43: {  	v1 =	vld [tilespmem:$0x6600]  }
0x44: {  	v2 =	vld [tilespmem:$0x66B0]  }
0x45: {  	v3 =	vld [tilespmem:$0x6610]  }
0x46: {  	v4 =	vld [tilespmem:$0x66A0]  }
0x47: {  	v5 =	vld [tilespmem:$0x6750]  }
0x48: {  	v6 =	vld [tilespmem:$0x6740]  }
0x49: {  	v7 =	vld [tilespmem:$0x67F0]  }
0x4a: {  	v8 =	vld [tilespmem:$0x67E0];
	v2 =	vadd.f32 v2, v3  }
0x4b: {  	v1 =	vadd.f32 v4, v1  }
0x4c: {  	v2 =	vadd.f32 v5, v2  }
0x4d: {  	v1 =	vadd.f32 v6, v1  }
0x4e: {  	v2 =	vadd.f32 v7, v2  }
0x4f: {  	v1 =	vadd.f32 v8, v1  }
0x50: {  	v2 =	vmul.f32 $4.999999890e-03, v2  }
0x51: {  	v1 =	vmul.f32 $4.999999890e-03, v1  }
0x52: {  	[tilespmem:$0x6830] =	vst v2  }
0x53: {  	[tilespmem:$0x6820] =	vst v1  }
0x54: {  	[hbm4b:s6+s3] =	stream.linear.scatter [tilespmem:s8], [sflag:$0x2], $0x80, $0x38;
	[tilespmem:$0x68A0] =	vst v63  }
0x55: {  	_ =	swait.ge [sflag:s2], $0x80  }
0x56: {  	[sflag:s2] =	ssyncset.done $0x0  }
0x57: {  	[sflag:s2] =	ssyncadd.s32 $0xFFFFFF80  }
0x58: {  	[tilespmem:s3], [sflag:$0x2] =	stream.linear.gather [hbm4b:s10+s3], $0x100, $0x38;
	[tilespmem:$0x68A0] =	vst v63  }
0x59: {  	_ =	swait.ge [sflag:s2], $0x100  }
0x5a: {  	[sflag:s2] =	ssyncset.done $0x0  }
0x5b: {  	[sflag:s2] =	ssyncadd.s32 $0xFFFFFF00  }
0x5c: {  	[tilespmem:s5], [sflag:$0x2] =	stream.linear.gather [hbm4b:s12+s3], $0x100, $0x38;
	[tilespmem:$0x68A0] =	vst v63  }
0x5d: {  	_ =	swait.ge [sflag:s2], $0x100  }
0x5e: {  	[sflag:s2] =	ssyncset.done $0x0  }
0x5f: {  	[sflag:s2] =	ssyncadd.s32 $0xFFFFFF00  }
0x60: {  	[tilespmem:s9], [sflag:$0x1] =	stream.indirect.gather [hbm4b:s13+s7], $0x80, s3, s7, $0xb8;
	[tilespmem:$0x68A0] =	vst v63  }
0x61: {  	_ =	swait.ge [sflag:s14], $0x6400  }
0x62: {  	[sflag:s14] =	ssyncset.done $0x0  }
0x63: {  	[sflag:s14] =	ssyncadd.s32 $0xFFFF9C00  }
0x64: {  	[tilespmem:$0x6690] =	vst v0  }
0x65: {  	[tilespmem:$0x6680] =	vst v0  }
0x66: {  	[tilespmem:$0x6670] =	vst v0  }
0x67: {  	[tilespmem:$0x6660] =	vst v0  }
0x68: {  	[tilespmem:$0x6650] =	vst v0  }
.Ltmp2:
0x69: {  	[tilespmem:$0x6640] =	vst v0;
	(pc) =	sbr.rel @p0 .LBB2_2-.Ltmp2, $4  }
0x6a: {  	[tilespmem:$0x6630] =	vst v0  }
0x6b: {  	[tilespmem:$0x6620] =	vst v0  }
0x6c: {  	[tilespmem:$0x6600] =	vst v0  }
0x6d: {  	[tilespmem:$0x6610] =	vst v0  }
.LBB2_3:
0x6e: {  	[tilespmem:$0x66A0] =	vst v0  }
0x6f: {  	[tilespmem:$0x66B0] =	vst v0  }
0x70: {  	[tilespmem:$0x66C0] =	vst v0  }
0x71: {  	[tilespmem:$0x66D0] =	vst v0  }
0x72: {  	[tilespmem:$0x66E0] =	vst v0  }
0x73: {  	[tilespmem:$0x66F0] =	vst v0  }
0x74: {  	[tilespmem:$0x6700] =	vst v0  }
0x75: {  	[tilespmem:$0x6710] =	vst v0  }
0x76: {  	[tilespmem:$0x6720] =	vst v0  }
0x77: {  	[tilespmem:$0x6730] =	vst v0  }
0x78: {  	[tilespmem:$0x6740] =	vst v0  }
0x79: {  	[tilespmem:$0x6750] =	vst v0  }
0x7a: {  	[tilespmem:$0x6760] =	vst v0  }
0x7b: {  	[tilespmem:$0x6770] =	vst v0  }
0x7c: {  	[tilespmem:$0x6780] =	vst v0  }
0x7d: {  	[tilespmem:$0x6790] =	vst v0  }
0x7e: {  	[tilespmem:$0x67A0] =	vst v0  }
0x7f: {  	[tilespmem:$0x67B0] =	vst v0  }
0x80: {  	[tilespmem:$0x67C0] =	vst v0  }
0x81: {  	[tilespmem:$0x67D0] =	vst v0  }
0x82: {  	[tilespmem:$0x67E0] =	vst v0  }
0x83: {  	[tilespmem:$0x67F0] =	vst v0  }
0x84: {  	[spmem:s4] =	stream.linear.scatter [tilespmem:s11], [sflag:$0x2], $0x200, $0x38;
	[tilespmem:$0x68A0] =	vst v63  }
0x85: {  	_ =	swait.ge [sflag:s2], $0x200  }
0x86: {  	[sflag:s2] =	ssyncset.done $0x0  }
0x87: {  	[sflag:s2] =	ssyncadd.s32 $0xFFFFFE00  }
0x88: {  	[spmem:s4] =	stream.indirect.scatter.add.f32 [tilespmem:s9], [sflag:$0x2], $0x80, s5, s7, $0xb8;
	[tilespmem:$0x68A0] =	vst v63  }
0x89: {  	_ =	swait.ge [sflag:s2], $0x6400  }
0x8a: {  	[sflag:s2] =	ssyncset.done $0x0  }
0x8b: {  	[sflag:s2] =	ssyncadd.s32 $0xFFFF9C00  }
0x8c: {  	[tilespmem:s11], [sflag:$0x2] =	stream.linear.gather [spmem:s4], $0x200, $0x38;
	[tilespmem:$0x68A0] =	vst v63  }
0x8d: {  	_ =	swait.ge [sflag:s2], $0x200  }
0x8e: {  	[sflag:s2] =	ssyncset.done $0x0  }
0x8f: {  	[sflag:s2] =	ssyncadd.s32 $0xFFFFFE00  }
0x90: {  	v63 =	vld [tilespmem:$0x6600]  }
0x91: {  	v1 =	vld [tilespmem:$0x66B0]  }
0x92: {  	v2 =	vld [tilespmem:$0x6610]  }
0x93: {  	v3 =	vld [tilespmem:$0x66A0]  }
0x94: {  	v4 =	vld [tilespmem:$0x6750]  }
0x95: {  	v5 =	vld [tilespmem:$0x6740]  }
0x96: {  	v6 =	vld [tilespmem:$0x67F0]  }
0x97: {  	v7 =	vld [tilespmem:$0x67E0];
	v1 =	vadd.f32 v1, v2  }
0x98: {  	v0 =	vadd.f32 v3, v63  }
0x99: {  	v1 =	vadd.f32 v4, v1  }
0x9a: {  	v0 =	vadd.f32 v5, v0  }
0x9b: {  	v1 =	vadd.f32 v6, v1  }
0x9c: {  	v0 =	vadd.f32 v7, v0  }
0x9d: {  	v1 =	vmul.f32 $4.999999890e-03, v1  }
0x9e: {  	v0 =	vmul.f32 $4.999999890e-03, v0  }
0x9f: {  	[tilespmem:$0x6830] =	vst v1  }
0xa0: {  	[tilespmem:$0x6820] =	vst v0  }
0xa1: {  	[hbm4b:s6+s3] =	stream.linear.scatter [tilespmem:s8], [sflag:$0x2], $0x80, $0x38;
	[tilespmem:$0x68A0] =	vst v63  }
0xa2: {  	_ =	swait.ge [sflag:s2], $0x80  }
0xa3: {  	[sflag:s2] =	ssyncset.done $0x0  }
0xa4: {  	[sflag:s2] =	ssyncadd.s32 $0xFFFFFF80  }
.LBB2_4:
0xa5: {  	_ =	sfence.sel $0x180000  }
0xa6: {  	[bflag:$0x0] =	sbarrier.arrive $0xFFFF  }
0xa7: {  	p0 =	sne.s32 s0, $0x0;
	_ =	strace $0x90000047  }
0xa8: {  	s0 =	sadd.s32 @!p0 $0x100000, s1;
	[bflag:$0x2] =	sbarrier.arrive $0xFFFF  }
0xa9: {  	[sflag:s0] =	ssyncadd.tile.s32 @!p0 $0x1;
	_ =	shalt  }
.Lfunc_end2:
_tile_overlayer_lowered:
.L_overlay_start_2:
0xaa: {  	(tag) =	ssettag $0x2  }
0xab: {  	s0 =	rddreg [dreg:$0x0];
	s2 =	stileid.u32  }
0xac: {  	s1 =	rddreg [dreg:$0x1];
	p0 =	sne.s32 s2, $0x0  }
0xad: {  	s3 =	rddreg [dreg:$0x2];
	[bflag:$0x3] =	sbarrier.arrive $0xFFFF;
	s2 =	simm.s32 @!p0 $0x1C02  }
0xae: {  	[timem:s3], [sflag:s2] =	dma.local @!p0 [hbm:s0], s1  }
0xaf: {  	s0 =	simm.s32 @!p0 $0x2  }
0xb0: {  	_ =	swait.ge @!p0 [sflag:s0], s1  }
0xb1: {  	s1 =	ssub.s32 @!p0 $0x0, s1;
	[sflag:s0] =	ssyncset.done @!p0 $0x0  }
0xb2: {  	[sflag:s0] =	ssyncadd.s32 @!p0 s1  }
0xb3: {  	[bflag:$0x3] =	sbarrier.arrive $0xFFFF  }
0xb4: {  	_ =	shalt  }

</sc_bundles>
